<compile_context>
chip_gen: v7x
topology: tpu7x:2x2x1
jax: 0.10.2.dev20260603
libtpu: 0.0.44.dev20260713+nightly
codegen_flags: <defaults>
</compile_context>

<pallas_src>
import functools

import jax
import jax.numpy as jnp
from jax import lax
from jax.experimental import pallas as pl
from jax.experimental.pallas import tpu as pltpu
from jax.experimental.pallas import tpu_sc as plsc

_H, _W, _N = 512, 512, 100
_CW = 128
_CPP = _W // _CW
_PPW = _H // 32
_NCHUNK = _PPW * _CPP
_OFFS = (0, 16, 32, 48, 64, 80, 84)

_BIG = 1 << 20


def _sc_body(data_hbm, rois_hbm, out_hbm,
             inb0, inb1, outb0, outb1, roisv,
             isem0, isem1, osem0, osem1):
    nc = 2
    wid = lax.axis_index("s") * nc + lax.axis_index("c")
    p0 = wid * _PPW

    inb = (inb0, inb1)
    outb = (outb0, outb1)
    isem = (isem0, isem1)
    osem = (osem0, osem1)

    pltpu.sync_copy(rois_hbm, roisv)

    def chunk_plane(k):
        return p0 + k // _CPP

    def chunk_w0(k):
        return (k % _CPP) * _CW

    def in_copy(k, b):
        return pltpu.make_async_copy(
            data_hbm.at[chunk_plane(k), pl.ds(chunk_w0(k), _CW)],
            inb[b], isem[b])

    def out_copy(k, b):
        return pltpu.make_async_copy(
            outb[b], out_hbm.at[chunk_plane(k), pl.ds(chunk_w0(k), _CW)],
            osem[b])

    los = []
    rngs = []
    y1s = []
    y2s = []
    for g, off in enumerate(_OFFS):
        x1 = roisv[0, pl.ds(off, 16)]
        y1 = roisv[1, pl.ds(off, 16)]
        x2 = roisv[2, pl.ds(off, 16)]
        y2 = roisv[3, pl.ds(off, 16)]
        x1t = x1.astype(jnp.int32)
        lo = x1t + jnp.where(x1 > x1t.astype(jnp.float32), 1, 0)
        hi = x2.astype(jnp.int32)
        los.append(lo.astype(jnp.uint32))
        rngs.append(hi - lo)
        y1s.append(y1)
        y2s.append(y2)

    in_copy(0, 0).start()
    in_copy(1, 1).start()

    def superstep(s, carry):
        for b in range(2):
            k = s * 2 + b
            hf = chunk_plane(k).astype(jnp.float32)
            w0 = chunk_w0(k)

            lo_eff = []
            rng_eff = []
            for g in range(len(_OFFS)):
                act = ((hf >= y1s[g]) & (hf <= y2s[g])
                       & (rngs[g] >= 0))
                lo_eff.append(jnp.where(act, los[g], jnp.uint32(_BIG)))
                rng_eff.append(jnp.where(act, rngs[g].astype(jnp.uint32),
                                         jnp.uint32(0)))

            in_copy(k, b).wait()

            @pl.when(s >= 1)
            def _():
                out_copy(k - 2, b).wait()

            inref = inb[b]
            outref = outb[b]
            w0u = w0.astype(jnp.uint32)

            @plsc.parallel_loop(0, _CW, step=1, unroll=8)
            def _row(w):
                wg = w0u + w.astype(jnp.uint32)
                for g, off in enumerate(_OFFS):
                    d = inref[w, pl.ds(off, 16)]
                    m = (wg - lo_eff[g]) <= rng_eff[g]
                    outref[w, pl.ds(off, 16)] = jnp.where(m, d, 0.0)

            out_copy(k, b).start()

            @pl.when(k + 2 < _NCHUNK)
            def _():
                in_copy(k + 2, b).start()
        return carry

    lax.fori_loop(0, _NCHUNK // 2, superstep, 0)

    out_copy(_NCHUNK - 2, 0).wait()
    out_copy(_NCHUNK - 1, 1).wait()


def kernel(data, rois):
    rois_t = rois.T
    mesh = plsc.VectorSubcoreMesh(core_axis_name="c", subcore_axis_name="s")
    run = functools.partial(
        pl.kernel,
        mesh=mesh,
        out_type=jax.ShapeDtypeStruct((_H, _W, _N), jnp.float32),
        scratch_types=[
            pltpu.VMEM((_CW, _N), jnp.float32),
            pltpu.VMEM((_CW, _N), jnp.float32),
            pltpu.VMEM((_CW, _N), jnp.float32),
            pltpu.VMEM((_CW, _N), jnp.float32),
            pltpu.VMEM((4, _N), jnp.float32),
            pltpu.SemaphoreType.DMA,
            pltpu.SemaphoreType.DMA,
            pltpu.SemaphoreType.DMA,
            pltpu.SemaphoreType.DMA,
        ],
    )(_sc_body)
    return run(data, rois_t)

# --- scband reference (transcript-rebuilt; emitter-appended) ---
"""Pipeline reference for scband-crop-split-gt-85212151153076 (READ-ONLY COPY).

The authoritative reference and input builder live on the scoring server;
editing this copy changes nothing except your own understanding.
"""

import jax, jax.numpy as jnp
import numpy as np

H, W, N = 512, 512, 100

def setup_inputs(seed: int = 0) -> dict:
    key = jax.random.key(seed)
    k1, k2, k3 = jax.random.split(key, 3)
    data = jax.random.uniform(k1, (H, W, N), dtype=jnp.float32)
    # rois: [N, 4] = (x1, y1, x2, y2) in feature-map pixel coordinates,
    # with x1 <= x2 and y1 <= y2 so boxes are valid.
    xs = jax.random.uniform(k2, (N, 2), dtype=jnp.float32) * (W - 1)
    ys = jax.random.uniform(k3, (N, 2), dtype=jnp.float32) * (H - 1)
    x1 = jnp.min(xs, axis=1); x2 = jnp.max(xs, axis=1)
    y1 = jnp.min(ys, axis=1); y2 = jnp.max(ys, axis=1)
    rois = jnp.stack([x1, y1, x2, y2], axis=1)
    return {"data": data, "rois": rois}

def reference(data, rois):
    # Faithful port of crop_split_gt_forward (SipMask CUDA kernel):
    # output starts as zeros; for every pixel (h, w) and instance i,
    # output[h, w, i] = data[h, w, i] iff (w, h) lies inside rois[i] = (x1, y1, x2, y2).
    # The constructor arg c is not used in the GT variant's per-pixel math
    # (it only matters in the 2x2-split prediction kernel), matching the kernel.
    Hh, Ww, Nn = data.shape
    hh = jnp.arange(Hh, dtype=data.dtype)[:, None, None]   # [H,1,1]
    ww = jnp.arange(Ww, dtype=data.dtype)[None, :, None]   # [1,W,1]
    x1 = rois[:, 0][None, None, :]
    y1 = rois[:, 1][None, None, :]
    x2 = rois[:, 2][None, None, :]
    y2 = rois[:, 3][None, None, :]
    inside = (ww >= x1) & (ww <= x2) & (hh >= y1) & (hh <= y2)  # [H,W,N]
    output = jnp.where(inside, data, jnp.zeros_like(data))
    return output

if __name__ == "__main__":
    import jax
    _d = setup_inputs()
    print(jax.jit(kernel)(*tuple(_d.values())))

</pallas_src>

<mosaic_0001>
#map = affine_map<(d0, d1) -> (0, 0, 0)>
#map1 = affine_map<(d0, d1) -> (0, 0)>
module attributes {stable_mosaic.version = 14 : i64} {
  func.func @_sc_body(%arg0: i32, %arg1: i32, %arg2: memref<512x512x100xf32, #tpu.memory_space<hbm>>, %arg3: memref<4x100xf32, #tpu.memory_space<hbm>>, %arg4: memref<512x512x100xf32, #tpu.memory_space<hbm>>, %arg5: memref<128x100xf32, #tpu.memory_space<vmem>>, %arg6: memref<128x100xf32, #tpu.memory_space<vmem>>, %arg7: memref<128x100xf32, #tpu.memory_space<vmem>>, %arg8: memref<128x100xf32, #tpu.memory_space<vmem>>, %arg9: memref<4x100xf32, #tpu.memory_space<vmem>>, %arg10: memref<!tpu.dma_semaphore, #tpu.memory_space<semaphore_mem>>, %arg11: memref<!tpu.dma_semaphore, #tpu.memory_space<semaphore_mem>>, %arg12: memref<!tpu.dma_semaphore, #tpu.memory_space<semaphore_mem>>, %arg13: memref<!tpu.dma_semaphore, #tpu.memory_space<semaphore_mem>>) attributes {dimension_semantics = [#tpu.dimension_semantics<core_parallel>, #tpu.dimension_semantics<subcore_parallel>], iteration_bounds = array<i64: 2, 16>, scalar_prefetch = 0 : i64, scratch_operands = 9 : i64, tpu.core_type = #tpu.core_type<sc_vector_subcore>, window_params = [{transform_indices = #map}, {transform_indices = #map1}, {transform_indices = #map}]} {
    %mul3A = arith.constant 2 : i32
    %mul3A_0 = arith.muli %arg1, %mul3A : i32
    %add3A = arith.addi %mul3A_0, %arg0 : i32
    %mul3A_1 = arith.constant 16 : i32
    %mul3A_2 = arith.muli %add3A, %mul3A_1 : i32
    "tpu.region"() ({
      %run_scoped3A = tpu.sem_alloc : memref<!tpu.dma_semaphore, #tpu.memory_space<semaphore_mem>>
      tpu.enqueue_dma source(%arg3 : memref<4x100xf32, #tpu.memory_space<hbm>>) target(%arg9 : memref<4x100xf32, #tpu.memory_space<vmem>>) target_semaphore(%run_scoped3A : memref<!tpu.dma_semaphore, #tpu.memory_space<semaphore_mem>>)
      tpu.wait_dma2 semaphore(%run_scoped3A : memref<!tpu.dma_semaphore, #tpu.memory_space<semaphore_mem>>) src(%arg3 : memref<4x100xf32, #tpu.memory_space<hbm>>) dst(%arg9 : memref<4x100xf32, #tpu.memory_space<vmem>>)
      tpu.yield
    }) : () -> ()
    %get3A = arith.constant 0 : i32
    %get3A_3 = arith.index_cast %get3A : i32 to index
    %get3A_4 = arith.constant 0 : index
    %get3A_5 = tpu.vector_load %arg9[%get3A_3, %get3A_4] {strides = array<i32>} : memref<4x100xf32, #tpu.memory_space<vmem>>, vector<1x16xf32>,
    %get3A_6 = vector.shape_cast %get3A_5 : vector<1x16xf32> to vector<16xf32>
    %get3A_7 = arith.constant 1 : i32
    %get3A_8 = arith.index_cast %get3A_7 : i32 to index
    %get3A_9 = arith.constant 0 : index
    %get3A_10 = tpu.vector_load %arg9[%get3A_8, %get3A_9] {strides = array<i32>} : memref<4x100xf32, #tpu.memory_space<vmem>>, vector<1x16xf32>,
    %get3A_11 = vector.shape_cast %get3A_10 : vector<1x16xf32> to vector<16xf32>
    %get3A_12 = arith.constant 2 : i32
    %get3A_13 = arith.index_cast %get3A_12 : i32 to index
    %get3A_14 = arith.constant 0 : index
    %get3A_15 = tpu.vector_load %arg9[%get3A_13, %get3A_14] {strides = array<i32>} : memref<4x100xf32, #tpu.memory_space<vmem>>, vector<1x16xf32>,
    %get3A_16 = vector.shape_cast %get3A_15 : vector<1x16xf32> to vector<16xf32>
    %get3A_17 = arith.constant 3 : i32
    %get3A_18 = arith.index_cast %get3A_17 : i32 to index
    %get3A_19 = arith.constant 0 : index
    %get3A_20 = tpu.vector_load %arg9[%get3A_18, %get3A_19] {strides = array<i32>} : memref<4x100xf32, #tpu.memory_space<vmem>>, vector<1x16xf32>,
    %get3A_21 = vector.shape_cast %get3A_20 : vector<1x16xf32> to vector<16xf32>
    %convert_element_type3A = arith.fptosi %get3A_6 : vector<16xf32> to vector<16xi32>
    %convert_element_type3A_22 = arith.sitofp %convert_element_type3A : vector<16xi32> to vector<16xf32>
    %gt3A = arith.cmpf ogt, %get3A_6, %convert_element_type3A_22 : vector<16xf32>
    %jit3A = arith.constant 1 : i32
    %jit3A_23 = arith.constant 0 : i32
    %broadcast_in_dim3A = vector.broadcast %jit3A : i32 to vector<16xi32>
    %broadcast_in_dim3A_24 = vector.broadcast %jit3A_23 : i32 to vector<16xi32>
    %select_n3A = arith.select %gt3A, %broadcast_in_dim3A, %broadcast_in_dim3A_24 : vector<16xi1>, vector<16xi32>
    %add3A_25 = arith.addi %convert_element_type3A, %select_n3A : vector<16xi32>
    %convert_element_type3A_26 = arith.fptosi %get3A_16 : vector<16xf32> to vector<16xi32>
    %sub3A = arith.subi %convert_element_type3A_26, %add3A_25 : vector<16xi32>
    %get3A_27 = arith.constant 0 : i32
    %get3A_28 = arith.index_cast %get3A_27 : i32 to index
    %get3A_29 = arith.constant 16 : index
    %get3A_30 = tpu.vector_load %arg9[%get3A_28, %get3A_29] {strides = array<i32>} : memref<4x100xf32, #tpu.memory_space<vmem>>, vector<1x16xf32>,
    %get3A_31 = vector.shape_cast %get3A_30 : vector<1x16xf32> to vector<16xf32>
    %get3A_32 = arith.constant 1 : i32
    %get3A_33 = arith.index_cast %get3A_32 : i32 to index
    %get3A_34 = arith.constant 16 : index
    %get3A_35 = tpu.vector_load %arg9[%get3A_33, %get3A_34] {strides = array<i32>} : memref<4x100xf32, #tpu.memory_space<vmem>>, vector<1x16xf32>,
    %get3A_36 = vector.shape_cast %get3A_35 : vector<1x16xf32> to vector<16xf32>
    %get3A_37 = arith.constant 2 : i32
    %get3A_38 = arith.index_cast %get3A_37 : i32 to index
    %get3A_39 = arith.constant 16 : index
    %get3A_40 = tpu.vector_load %arg9[%get3A_38, %get3A_39] {strides = array<i32>} : memref<4x100xf32, #tpu.memory_space<vmem>>, vector<1x16xf32>,
    %get3A_41 = vector.shape_cast %get3A_40 : vector<1x16xf32> to vector<16xf32>
    %get3A_42 = arith.constant 3 : i32
    %get3A_43 = arith.index_cast %get3A_42 : i32 to index
    %get3A_44 = arith.constant 16 : index
    %get3A_45 = tpu.vector_load %arg9[%get3A_43, %get3A_44] {strides = array<i32>} : memref<4x100xf32, #tpu.memory_space<vmem>>, vector<1x16xf32>,
    %get3A_46 = vector.shape_cast %get3A_45 : vector<1x16xf32> to vector<16xf32>
    %convert_element_type3A_47 = arith.fptosi %get3A_31 : vector<16xf32> to vector<16xi32>
    %convert_element_type3A_48 = arith.sitofp %convert_element_type3A_47 : vector<16xi32> to vector<16xf32>
    %gt3A_49 = arith.cmpf ogt, %get3A_31, %convert_element_type3A_48 : vector<16xf32>
    %jit3A_50 = arith.constant 1 : i32
    %jit3A_51 = arith.constant 0 : i32
    %broadcast_in_dim3A_52 = vector.broadcast %jit3A_50 : i32 to vector<16xi32>
    %broadcast_in_dim3A_53 = vector.broadcast %jit3A_51 : i32 to vector<16xi32>
    %select_n3A_54 = arith.select %gt3A_49, %broadcast_in_dim3A_52, %broadcast_in_dim3A_53 : vector<16xi1>, vector<16xi32>
    %add3A_55 = arith.addi %convert_element_type3A_47, %select_n3A_54 : vector<16xi32>
    %convert_element_type3A_56 = arith.fptosi %get3A_41 : vector<16xf32> to vector<16xi32>
    %sub3A_57 = arith.subi %convert_element_type3A_56, %add3A_55 : vector<16xi32>
    %get3A_58 = arith.constant 0 : i32
    %get3A_59 = arith.index_cast %get3A_58 : i32 to index
    %get3A_60 = arith.constant 32 : index
    %get3A_61 = tpu.vector_load %arg9[%get3A_59, %get3A_60] {strides = array<i32>} : memref<4x100xf32, #tpu.memory_space<vmem>>, vector<1x16xf32>,
    %get3A_62 = vector.shape_cast %get3A_61 : vector<1x16xf32> to vector<16xf32>
    %get3A_63 = arith.constant 1 : i32
    %get3A_64 = arith.index_cast %get3A_63 : i32 to index
    %get3A_65 = arith.constant 32 : index
    %get3A_66 = tpu.vector_load %arg9[%get3A_64, %get3A_65] {strides = array<i32>} : memref<4x100xf32, #tpu.memory_space<vmem>>, vector<1x16xf32>,
    %get3A_67 = vector.shape_cast %get3A_66 : vector<1x16xf32> to vector<16xf32>
    %get3A_68 = arith.constant 2 : i32
    %get3A_69 = arith.index_cast %get3A_68 : i32 to index
    %get3A_70 = arith.constant 32 : index
    %get3A_71 = tpu.vector_load %arg9[%get3A_69, %get3A_70] {strides = array<i32>} : memref<4x100xf32, #tpu.memory_space<vmem>>, vector<1x16xf32>,
    %get3A_72 = vector.shape_cast %get3A_71 : vector<1x16xf32> to vector<16xf32>
    %get3A_73 = arith.constant 3 : i32
    %get3A_74 = arith.index_cast %get3A_73 : i32 to index
    %get3A_75 = arith.constant 32 : index
    %get3A_76 = tpu.vector_load %arg9[%get3A_74, %get3A_75] {strides = array<i32>} : memref<4x100xf32, #tpu.memory_space<vmem>>, vector<1x16xf32>,
    %get3A_77 = vector.shape_cast %get3A_76 : vector<1x16xf32> to vector<16xf32>
    %convert_element_type3A_78 = arith.fptosi %get3A_62 : vector<16xf32> to vector<16xi32>
    %convert_element_type3A_79 = arith.sitofp %convert_element_type3A_78 : vector<16xi32> to vector<16xf32>
    %gt3A_80 = arith.cmpf ogt, %get3A_62, %convert_element_type3A_79 : vector<16xf32>
    %jit3A_81 = arith.constant 1 : i32
    %jit3A_82 = arith.constant 0 : i32
    %broadcast_in_dim3A_83 = vector.broadcast %jit3A_81 : i32 to vector<16xi32>
    %broadcast_in_dim3A_84 = vector.broadcast %jit3A_82 : i32 to vector<16xi32>
    %select_n3A_85 = arith.select %gt3A_80, %broadcast_in_dim3A_83, %broadcast_in_dim3A_84 : vector<16xi1>, vector<16xi32>
    %add3A_86 = arith.addi %convert_element_type3A_78, %select_n3A_85 : vector<16xi32>
    %convert_element_type3A_87 = arith.fptosi %get3A_72 : vector<16xf32> to vector<16xi32>
    %sub3A_88 = arith.subi %convert_element_type3A_87, %add3A_86 : vector<16xi32>
    %get3A_89 = arith.constant 0 : i32
    %get3A_90 = arith.index_cast %get3A_89 : i32 to index
    %get3A_91 = arith.constant 48 : index
    %get3A_92 = tpu.vector_load %arg9[%get3A_90, %get3A_91] {strides = array<i32>} : memref<4x100xf32, #tpu.memory_space<vmem>>, vector<1x16xf32>,
    %get3A_93 = vector.shape_cast %get3A_92 : vector<1x16xf32> to vector<16xf32>
    %get3A_94 = arith.constant 1 : i32
    %get3A_95 = arith.index_cast %get3A_94 : i32 to index
    %get3A_96 = arith.constant 48 : index
    %get3A_97 = tpu.vector_load %arg9[%get3A_95, %get3A_96] {strides = array<i32>} : memref<4x100xf32, #tpu.memory_space<vmem>>, vector<1x16xf32>,
    %get3A_98 = vector.shape_cast %get3A_97 : vector<1x16xf32> to vector<16xf32>
    %get3A_99 = arith.constant 2 : i32
    %get3A_100 = arith.index_cast %get3A_99 : i32 to index
    %get3A_101 = arith.constant 48 : index
    %get3A_102 = tpu.vector_load %arg9[%get3A_100, %get3A_101] {strides = array<i32>} : memref<4x100xf32, #tpu.memory_space<vmem>>, vector<1x16xf32>,
    %get3A_103 = vector.shape_cast %get3A_102 : vector<1x16xf32> to vector<16xf32>
    %get3A_104 = arith.constant 3 : i32
    %get3A_105 = arith.index_cast %get3A_104 : i32 to index
    %get3A_106 = arith.constant 48 : index
    %get3A_107 = tpu.vector_load %arg9[%get3A_105, %get3A_106] {strides = array<i32>} : memref<4x100xf32, #tpu.memory_space<vmem>>, vector<1x16xf32>,
    %get3A_108 = vector.shape_cast %get3A_107 : vector<1x16xf32> to vector<16xf32>
    %convert_element_type3A_109 = arith.fptosi %get3A_93 : vector<16xf32> to vector<16xi32>
    %convert_element_type3A_110 = arith.sitofp %convert_element_type3A_109 : vector<16xi32> to vector<16xf32>
    %gt3A_111 = arith.cmpf ogt, %get3A_93, %convert_element_type3A_110 : vector<16xf32>
    %jit3A_112 = arith.constant 1 : i32
    %jit3A_113 = arith.constant 0 : i32
    %broadcast_in_dim3A_114 = vector.broadcast %jit3A_112 : i32 to vector<16xi32>
    %broadcast_in_dim3A_115 = vector.broadcast %jit3A_113 : i32 to vector<16xi32>
    %select_n3A_116 = arith.select %gt3A_111, %broadcast_in_dim3A_114, %broadcast_in_dim3A_115 : vector<16xi1>, vector<16xi32>
    %add3A_117 = arith.addi %convert_element_type3A_109, %select_n3A_116 : vector<16xi32>
    %convert_element_type3A_118 = arith.fptosi %get3A_103 : vector<16xf32> to vector<16xi32>
    %sub3A_119 = arith.subi %convert_element_type3A_118, %add3A_117 : vector<16xi32>
    %get3A_120 = arith.constant 0 : i32
    %get3A_121 = arith.index_cast %get3A_120 : i32 to index
    %get3A_122 = arith.constant 64 : index
    %get3A_123 = tpu.vector_load %arg9[%get3A_121, %get3A_122] {strides = array<i32>} : memref<4x100xf32, #tpu.memory_space<vmem>>, vector<1x16xf32>,
    %get3A_124 = vector.shape_cast %get3A_123 : vector<1x16xf32> to vector<16xf32>
    %get3A_125 = arith.constant 1 : i32
    %get3A_126 = arith.index_cast %get3A_125 : i32 to index
    %get3A_127 = arith.constant 64 : index
    %get3A_128 = tpu.vector_load %arg9[%get3A_126, %get3A_127] {strides = array<i32>} : memref<4x100xf32, #tpu.memory_space<vmem>>, vector<1x16xf32>,
    %get3A_129 = vector.shape_cast %get3A_128 : vector<1x16xf32> to vector<16xf32>
    %get3A_130 = arith.constant 2 : i32
    %get3A_131 = arith.index_cast %get3A_130 : i32 to index
    %get3A_132 = arith.constant 64 : index
    %get3A_133 = tpu.vector_load %arg9[%get3A_131, %get3A_132] {strides = array<i32>} : memref<4x100xf32, #tpu.memory_space<vmem>>, vector<1x16xf32>,
    %get3A_134 = vector.shape_cast %get3A_133 : vector<1x16xf32> to vector<16xf32>
    %get3A_135 = arith.constant 3 : i32
    %get3A_136 = arith.index_cast %get3A_135 : i32 to index
    %get3A_137 = arith.constant 64 : index
    %get3A_138 = tpu.vector_load %arg9[%get3A_136, %get3A_137] {strides = array<i32>} : memref<4x100xf32, #tpu.memory_space<vmem>>, vector<1x16xf32>,
    %get3A_139 = vector.shape_cast %get3A_138 : vector<1x16xf32> to vector<16xf32>
    %convert_element_type3A_140 = arith.fptosi %get3A_124 : vector<16xf32> to vector<16xi32>
    %convert_element_type3A_141 = arith.sitofp %convert_element_type3A_140 : vector<16xi32> to vector<16xf32>
    %gt3A_142 = arith.cmpf ogt, %get3A_124, %convert_element_type3A_141 : vector<16xf32>
    %jit3A_143 = arith.constant 1 : i32
    %jit3A_144 = arith.constant 0 : i32
    %broadcast_in_dim3A_145 = vector.broadcast %jit3A_143 : i32 to vector<16xi32>
    %broadcast_in_dim3A_146 = vector.broadcast %jit3A_144 : i32 to vector<16xi32>
    %select_n3A_147 = arith.select %gt3A_142, %broadcast_in_dim3A_145, %broadcast_in_dim3A_146 : vector<16xi1>, vector<16xi32>
    %add3A_148 = arith.addi %convert_element_type3A_140, %select_n3A_147 : vector<16xi32>
    %convert_element_type3A_149 = arith.fptosi %get3A_134 : vector<16xf32> to vector<16xi32>
    %sub3A_150 = arith.subi %convert_element_type3A_149, %add3A_148 : vector<16xi32>
    %get3A_151 = arith.constant 0 : i32
    %get3A_152 = arith.index_cast %get3A_151 : i32 to index
    %get3A_153 = arith.constant 80 : index
    %get3A_154 = tpu.vector_load %arg9[%get3A_152, %get3A_153] {strides = array<i32>} : memref<4x100xf32, #tpu.memory_space<vmem>>, vector<1x16xf32>,
    %get3A_155 = vector.shape_cast %get3A_154 : vector<1x16xf32> to vector<16xf32>
    %get3A_156 = arith.constant 1 : i32
    %get3A_157 = arith.index_cast %get3A_156 : i32 to index
    %get3A_158 = arith.constant 80 : index
    %get3A_159 = tpu.vector_load %arg9[%get3A_157, %get3A_158] {strides = array<i32>} : memref<4x100xf32, #tpu.memory_space<vmem>>, vector<1x16xf32>,
    %get3A_160 = vector.shape_cast %get3A_159 : vector<1x16xf32> to vector<16xf32>
    %get3A_161 = arith.constant 2 : i32
    %get3A_162 = arith.index_cast %get3A_161 : i32 to index
    %get3A_163 = arith.constant 80 : index
    %get3A_164 = tpu.vector_load %arg9[%get3A_162, %get3A_163] {strides = array<i32>} : memref<4x100xf32, #tpu.memory_space<vmem>>, vector<1x16xf32>,
    %get3A_165 = vector.shape_cast %get3A_164 : vector<1x16xf32> to vector<16xf32>
    %get3A_166 = arith.constant 3 : i32
    %get3A_167 = arith.index_cast %get3A_166 : i32 to index
    %get3A_168 = arith.constant 80 : index
    %get3A_169 = tpu.vector_load %arg9[%get3A_167, %get3A_168] {strides = array<i32>} : memref<4x100xf32, #tpu.memory_space<vmem>>, vector<1x16xf32>,
    %get3A_170 = vector.shape_cast %get3A_169 : vector<1x16xf32> to vector<16xf32>
    %convert_element_type3A_171 = arith.fptosi %get3A_155 : vector<16xf32> to vector<16xi32>
    %convert_element_type3A_172 = arith.sitofp %convert_element_type3A_171 : vector<16xi32> to vector<16xf32>
    %gt3A_173 = arith.cmpf ogt, %get3A_155, %convert_element_type3A_172 : vector<16xf32>
    %jit3A_174 = arith.constant 1 : i32
    %jit3A_175 = arith.constant 0 : i32
    %broadcast_in_dim3A_176 = vector.broadcast %jit3A_174 : i32 to vector<16xi32>
    %broadcast_in_dim3A_177 = vector.broadcast %jit3A_175 : i32 to vector<16xi32>
    %select_n3A_178 = arith.select %gt3A_173, %broadcast_in_dim3A_176, %broadcast_in_dim3A_177 : vector<16xi1>, vector<16xi32>
    %add3A_179 = arith.addi %convert_element_type3A_171, %select_n3A_178 : vector<16xi32>
    %convert_element_type3A_180 = arith.fptosi %get3A_165 : vector<16xf32> to vector<16xi32>
    %sub3A_181 = arith.subi %convert_element_type3A_180, %add3A_179 : vector<16xi32>
    %get3A_182 = arith.constant 0 : i32
    %get3A_183 = arith.index_cast %get3A_182 : i32 to index
    %get3A_184 = arith.constant 84 : index
    %get3A_185 = tpu.vector_load %arg9[%get3A_183, %get3A_184] {strides = array<i32>} : memref<4x100xf32, #tpu.memory_space<vmem>>, vector<1x16xf32>,
    %get3A_186 = vector.shape_cast %get3A_185 : vector<1x16xf32> to vector<16xf32>
    %get3A_187 = arith.constant 1 : i32
    %get3A_188 = arith.index_cast %get3A_187 : i32 to index
    %get3A_189 = arith.constant 84 : index
    %get3A_190 = tpu.vector_load %arg9[%get3A_188, %get3A_189] {strides = array<i32>} : memref<4x100xf32, #tpu.memory_space<vmem>>, vector<1x16xf32>,
    %get3A_191 = vector.shape_cast %get3A_190 : vector<1x16xf32> to vector<16xf32>
    %get3A_192 = arith.constant 2 : i32
    %get3A_193 = arith.index_cast %get3A_192 : i32 to index
    %get3A_194 = arith.constant 84 : index
    %get3A_195 = tpu.vector_load %arg9[%get3A_193, %get3A_194] {strides = array<i32>} : memref<4x100xf32, #tpu.memory_space<vmem>>, vector<1x16xf32>,
    %get3A_196 = vector.shape_cast %get3A_195 : vector<1x16xf32> to vector<16xf32>
    %get3A_197 = arith.constant 3 : i32
    %get3A_198 = arith.index_cast %get3A_197 : i32 to index
    %get3A_199 = arith.constant 84 : index
    %get3A_200 = tpu.vector_load %arg9[%get3A_198, %get3A_199] {strides = array<i32>} : memref<4x100xf32, #tpu.memory_space<vmem>>, vector<1x16xf32>,
    %get3A_201 = vector.shape_cast %get3A_200 : vector<1x16xf32> to vector<16xf32>
    %convert_element_type3A_202 = arith.fptosi %get3A_186 : vector<16xf32> to vector<16xi32>
    %convert_element_type3A_203 = arith.sitofp %convert_element_type3A_202 : vector<16xi32> to vector<16xf32>
    %gt3A_204 = arith.cmpf ogt, %get3A_186, %convert_element_type3A_203 : vector<16xf32>
    %jit3A_205 = arith.constant 1 : i32
    %jit3A_206 = arith.constant 0 : i32
    %broadcast_in_dim3A_207 = vector.broadcast %jit3A_205 : i32 to vector<16xi32>
    %broadcast_in_dim3A_208 = vector.broadcast %jit3A_206 : i32 to vector<16xi32>
    %select_n3A_209 = arith.select %gt3A_204, %broadcast_in_dim3A_207, %broadcast_in_dim3A_208 : vector<16xi1>, vector<16xi32>
    %add3A_210 = arith.addi %convert_element_type3A_202, %select_n3A_209 : vector<16xi32>
    %convert_element_type3A_211 = arith.fptosi %get3A_196 : vector<16xf32> to vector<16xi32>
    %sub3A_212 = arith.subi %convert_element_type3A_211, %add3A_210 : vector<16xi32>
    %add3A_213 = arith.constant 0 : i32
    %add3A_214 = arith.addi %mul3A_2, %add3A_213 : i32
    %dma_start3A = arith.constant 0 : i32
    %dma_start3A_215 = arith.constant 0 : i32
    %dma_start3A_216 = tpu.memref_slice %arg2[%add3A_214, %dma_start3A, %dma_start3A_215] : memref<512x512x100xf32, #tpu.memory_space<hbm>> -> memref<1x128x100xf32, #tpu.memory_space<hbm>>
    %dma_start3A_217 = tpu.memref_squeeze %dma_start3A_216 : memref<1x128x100xf32, #tpu.memory_space<hbm>> -> memref<128x100xf32, #tpu.memory_space<hbm>>
    %dma_start3A_218 = arith.constant 0 : i32
    %dma_start3A_219 = arith.constant 0 : i32
    %dma_start3A_220 = tpu.memref_slice %arg2[%add3A_214, %dma_start3A_218, %dma_start3A_219] : memref<512x512x100xf32, #tpu.memory_space<hbm>> -> memref<1x128x100xf32, #tpu.memory_space<hbm>>
    %dma_start3A_221 = tpu.memref_squeeze %dma_start3A_220 : memref<1x128x100xf32, #tpu.memory_space<hbm>> -> memref<128x100xf32, #tpu.memory_space<hbm>>
    tpu.enqueue_dma source(%dma_start3A_221 : memref<128x100xf32, #tpu.memory_space<hbm>>) target(%arg5 : memref<128x100xf32, #tpu.memory_space<vmem>>) target_semaphore(%arg10 : memref<!tpu.dma_semaphore, #tpu.memory_space<semaphore_mem>>)
    %add3A_222 = arith.constant 0 : i32
    %add3A_223 = arith.addi %mul3A_2, %add3A_222 : i32
    %dma_start3A_224 = arith.constant 128 : i32
    %dma_start3A_225 = arith.constant 0 : i32
    %dma_start3A_226 = tpu.memref_slice %arg2[%add3A_223, %dma_start3A_224, %dma_start3A_225] : memref<512x512x100xf32, #tpu.memory_space<hbm>> -> memref<1x128x100xf32, #tpu.memory_space<hbm>>
    %dma_start3A_227 = tpu.memref_squeeze %dma_start3A_226 : memref<1x128x100xf32, #tpu.memory_space<hbm>> -> memref<128x100xf32, #tpu.memory_space<hbm>>
    %dma_start3A_228 = arith.constant 128 : i32
    %dma_start3A_229 = arith.constant 0 : i32
    %dma_start3A_230 = tpu.memref_slice %arg2[%add3A_223, %dma_start3A_228, %dma_start3A_229] : memref<512x512x100xf32, #tpu.memory_space<hbm>> -> memref<1x128x100xf32, #tpu.memory_space<hbm>>
    %dma_start3A_231 = tpu.memref_squeeze %dma_start3A_230 : memref<1x128x100xf32, #tpu.memory_space<hbm>> -> memref<128x100xf32, #tpu.memory_space<hbm>>
    tpu.enqueue_dma source(%dma_start3A_231 : memref<128x100xf32, #tpu.memory_space<hbm>>) target(%arg6 : memref<128x100xf32, #tpu.memory_space<vmem>>) target_semaphore(%arg11 : memref<!tpu.dma_semaphore, #tpu.memory_space<semaphore_mem>>)
    %scan3A = arith.constant 0 : i32
    %scan3A_232 = arith.constant 0 : i32
    %scan3A_233 = arith.constant 32 : i32
    %scan3A_234 = arith.addi %scan3A_232, %scan3A_233 : i32
    %scan3A_235 = arith.constant 1 : i32
    scf.for %scan3A_256 = %scan3A_232 to %scan3A_234 step %scan3A_235  : i32 {
      %mul3A_257 = arith.constant 2 : i32
      %mul3A_258 = arith.muli %scan3A_256, %mul3A_257 : i32
      %add3A_259 = arith.constant 0 : i32
      %add3A_260 = arith.addi %mul3A_258, %add3A_259 : i32
      %jit3A_261 = arith.constant 4 : i32
      %div3A = arith.divsi %add3A_260, %jit3A_261 : i32
      %sign3A = arith.constant 0 : i32
      %sign3A_262 = arith.cmpi sgt, %add3A_260, %sign3A : i32
      %sign3A_263 = arith.extui %sign3A_262 : i1 to i32
      %sign3A_264 = arith.constant 0 : i32
      %sign3A_265 = arith.cmpi slt, %add3A_260, %sign3A_264 : i32
      %sign3A_266 = arith.extui %sign3A_265 : i1 to i32
      %sign3A_267 = arith.subi %sign3A_263, %sign3A_266 : i32
      %sign3A_268 = arith.constant 0 : i32
      %sign3A_269 = arith.cmpi sgt, %jit3A_261, %sign3A_268 : i32
      %sign3A_270 = arith.extui %sign3A_269 : i1 to i32
      %sign3A_271 = arith.constant 0 : i32
      %sign3A_272 = arith.cmpi slt, %jit3A_261, %sign3A_271 : i32
      %sign3A_273 = arith.extui %sign3A_272 : i1 to i32
      %sign3A_274 = arith.subi %sign3A_270, %sign3A_273 : i32
      %ne3A = arith.cmpi ne, %sign3A_267, %sign3A_274 : i32
      %rem3A = arith.remsi %add3A_260, %jit3A_261 : i32
      %ne3A_275 = arith.constant 0 : i32
      %ne3A_276 = arith.cmpi ne, %rem3A, %ne3A_275 : i32
      %and3A = arith.andi %ne3A, %ne3A_276 : i1
      %sub3A_277 = arith.constant 1 : i32
      %sub3A_278 = arith.subi %div3A, %sub3A_277 : i32
      %select_n3A_279 = arith.select %and3A, %sub3A_278, %div3A : i32
      %add3A_280 = arith.addi %mul3A_2, %select_n3A_279 : i32
      %convert_element_type3A_281 = arith.sitofp %add3A_280 : i32 to f32
      %jit3A_282 = arith.constant 4 : i32
      %eq3A = arith.constant 0 : i32
      %eq3A_283 = arith.cmpi eq, %jit3A_282, %eq3A : i32
      %jit3A_284 = arith.constant 1 : i32
      %select_n3A_285 = arith.select %eq3A_283, %jit3A_284, %jit3A_282 : i32
      %rem3A_286 = arith.remsi %add3A_260, %select_n3A_285 : i32
      %ne3A_287 = arith.constant 0 : i32
      %ne3A_288 = arith.cmpi ne, %rem3A_286, %ne3A_287 : i32
      %lt3A = arith.constant 0 : i32
      %lt3A_289 = arith.cmpi slt, %rem3A_286, %lt3A : i32
      %lt3A_290 = arith.constant 0 : i32
      %lt3A_291 = arith.cmpi slt, %select_n3A_285, %lt3A_290 : i32
      %ne3A_292 = arith.xori %lt3A_289, %lt3A_291 : i1
      %and3A_293 = arith.andi %ne3A_292, %ne3A_288 : i1
      %add3A_294 = arith.addi %rem3A_286, %select_n3A_285 : i32
      %select_n3A_295 = arith.select %and3A_293, %add3A_294, %rem3A_286 : i32
      %mul3A_296 = arith.constant 128 : i32
      %mul3A_297 = arith.muli %select_n3A_295, %mul3A_296 : i32
      %ge3A = vector.broadcast %convert_element_type3A_281 : f32 to vector<16xf32>
      %ge3A_298 = arith.cmpf oge, %ge3A, %get3A_11 : vector<16xf32>
      %le3A = vector.broadcast %convert_element_type3A_281 : f32 to vector<16xf32>
      %le3A_299 = arith.cmpf ole, %le3A, %get3A_21 : vector<16xf32>
      %and3A_300 = arith.andi %ge3A_298, %le3A_299 : vector<16xi1>
      %ge3A_301 = arith.constant 0 : i32
      %ge3A_302 = vector.broadcast %ge3A_301 : i32 to vector<16xi32>
      %ge3A_303 = arith.cmpi sge, %sub3A, %ge3A_302 : vector<16xi32>
      %and3A_304 = arith.andi %and3A_300, %ge3A_303 : vector<16xi1>
      %jit3A_305 = arith.constant 1048576 : i32
      %broadcast_in_dim3A_306 = vector.broadcast %jit3A_305 : i32 to vector<16xi32>
      %select_n3A_307 = arith.select %and3A_304, %add3A_25, %broadcast_in_dim3A_306 : vector<16xi1>, vector<16xi32>
      %jit3A_308 = arith.constant 0 : i32
      %broadcast_in_dim3A_309 = vector.broadcast %jit3A_308 : i32 to vector<16xi32>
      %select_n3A_310 = arith.select %and3A_304, %sub3A, %broadcast_in_dim3A_309 : vector<16xi1>, vector<16xi32>
      %ge3A_311 = vector.broadcast %convert_element_type3A_281 : f32 to vector<16xf32>
      %ge3A_312 = arith.cmpf oge, %ge3A_311, %get3A_36 : vector<16xf32>
      %le3A_313 = vector.broadcast %convert_element_type3A_281 : f32 to vector<16xf32>
      %le3A_314 = arith.cmpf ole, %le3A_313, %get3A_46 : vector<16xf32>
      %and3A_315 = arith.andi %ge3A_312, %le3A_314 : vector<16xi1>
      %ge3A_316 = arith.constant 0 : i32
      %ge3A_317 = vector.broadcast %ge3A_316 : i32 to vector<16xi32>
      %ge3A_318 = arith.cmpi sge, %sub3A_57, %ge3A_317 : vector<16xi32>
      %and3A_319 = arith.andi %and3A_315, %ge3A_318 : vector<16xi1>
      %jit3A_320 = arith.constant 1048576 : i32
      %broadcast_in_dim3A_321 = vector.broadcast %jit3A_320 : i32 to vector<16xi32>
      %select_n3A_322 = arith.select %and3A_319, %add3A_55, %broadcast_in_dim3A_321 : vector<16xi1>, vector<16xi32>
      %jit3A_323 = arith.constant 0 : i32
      %broadcast_in_dim3A_324 = vector.broadcast %jit3A_323 : i32 to vector<16xi32>
      %select_n3A_325 = arith.select %and3A_319, %sub3A_57, %broadcast_in_dim3A_324 : vector<16xi1>, vector<16xi32>
      %ge3A_326 = vector.broadcast %convert_element_type3A_281 : f32 to vector<16xf32>
      %ge3A_327 = arith.cmpf oge, %ge3A_326, %get3A_67 : vector<16xf32>
      %le3A_328 = vector.broadcast %convert_element_type3A_281 : f32 to vector<16xf32>
      %le3A_329 = arith.cmpf ole, %le3A_328, %get3A_77 : vector<16xf32>
      %and3A_330 = arith.andi %ge3A_327, %le3A_329 : vector<16xi1>
      %ge3A_331 = arith.constant 0 : i32
      %ge3A_332 = vector.broadcast %ge3A_331 : i32 to vector<16xi32>
      %ge3A_333 = arith.cmpi sge, %sub3A_88, %ge3A_332 : vector<16xi32>
      %and3A_334 = arith.andi %and3A_330, %ge3A_333 : vector<16xi1>
      %jit3A_335 = arith.constant 1048576 : i32
      %broadcast_in_dim3A_336 = vector.broadcast %jit3A_335 : i32 to vector<16xi32>
      %select_n3A_337 = arith.select %and3A_334, %add3A_86, %broadcast_in_dim3A_336 : vector<16xi1>, vector<16xi32>
      %jit3A_338 = arith.constant 0 : i32
      %broadcast_in_dim3A_339 = vector.broadcast %jit3A_338 : i32 to vector<16xi32>
      %select_n3A_340 = arith.select %and3A_334, %sub3A_88, %broadcast_in_dim3A_339 : vector<16xi1>, vector<16xi32>
      %ge3A_341 = vector.broadcast %convert_element_type3A_281 : f32 to vector<16xf32>
      %ge3A_342 = arith.cmpf oge, %ge3A_341, %get3A_98 : vector<16xf32>
      %le3A_343 = vector.broadcast %convert_element_type3A_281 : f32 to vector<16xf32>
      %le3A_344 = arith.cmpf ole, %le3A_343, %get3A_108 : vector<16xf32>
      %and3A_345 = arith.andi %ge3A_342, %le3A_344 : vector<16xi1>
      %ge3A_346 = arith.constant 0 : i32
      %ge3A_347 = vector.broadcast %ge3A_346 : i32 to vector<16xi32>
      %ge3A_348 = arith.cmpi sge, %sub3A_119, %ge3A_347 : vector<16xi32>
      %and3A_349 = arith.andi %and3A_345, %ge3A_348 : vector<16xi1>
      %jit3A_350 = arith.constant 1048576 : i32
      %broadcast_in_dim3A_351 = vector.broadcast %jit3A_350 : i32 to vector<16xi32>
      %select_n3A_352 = arith.select %and3A_349, %add3A_117, %broadcast_in_dim3A_351 : vector<16xi1>, vector<16xi32>
      %jit3A_353 = arith.constant 0 : i32
      %broadcast_in_dim3A_354 = vector.broadcast %jit3A_353 : i32 to vector<16xi32>
      %select_n3A_355 = arith.select %and3A_349, %sub3A_119, %broadcast_in_dim3A_354 : vector<16xi1>, vector<16xi32>
      %ge3A_356 = vector.broadcast %convert_element_type3A_281 : f32 to vector<16xf32>
      %ge3A_357 = arith.cmpf oge, %ge3A_356, %get3A_129 : vector<16xf32>
      %le3A_358 = vector.broadcast %convert_element_type3A_281 : f32 to vector<16xf32>
      %le3A_359 = arith.cmpf ole, %le3A_358, %get3A_139 : vector<16xf32>
      %and3A_360 = arith.andi %ge3A_357, %le3A_359 : vector<16xi1>
      %ge3A_361 = arith.constant 0 : i32
      %ge3A_362 = vector.broadcast %ge3A_361 : i32 to vector<16xi32>
      %ge3A_363 = arith.cmpi sge, %sub3A_150, %ge3A_362 : vector<16xi32>
      %and3A_364 = arith.andi %and3A_360, %ge3A_363 : vector<16xi1>
      %jit3A_365 = arith.constant 1048576 : i32
      %broadcast_in_dim3A_366 = vector.broadcast %jit3A_365 : i32 to vector<16xi32>
      %select_n3A_367 = arith.select %and3A_364, %add3A_148, %broadcast_in_dim3A_366 : vector<16xi1>, vector<16xi32>
      %jit3A_368 = arith.constant 0 : i32
      %broadcast_in_dim3A_369 = vector.broadcast %jit3A_368 : i32 to vector<16xi32>
      %select_n3A_370 = arith.select %and3A_364, %sub3A_150, %broadcast_in_dim3A_369 : vector<16xi1>, vector<16xi32>
      %ge3A_371 = vector.broadcast %convert_element_type3A_281 : f32 to vector<16xf32>
      %ge3A_372 = arith.cmpf oge, %ge3A_371, %get3A_160 : vector<16xf32>
      %le3A_373 = vector.broadcast %convert_element_type3A_281 : f32 to vector<16xf32>
      %le3A_374 = arith.cmpf ole, %le3A_373, %get3A_170 : vector<16xf32>
      %and3A_375 = arith.andi %ge3A_372, %le3A_374 : vector<16xi1>
      %ge3A_376 = arith.constant 0 : i32
      %ge3A_377 = vector.broadcast %ge3A_376 : i32 to vector<16xi32>
      %ge3A_378 = arith.cmpi sge, %sub3A_181, %ge3A_377 : vector<16xi32>
      %and3A_379 = arith.andi %and3A_375, %ge3A_378 : vector<16xi1>
      %jit3A_380 = arith.constant 1048576 : i32
      %broadcast_in_dim3A_381 = vector.broadcast %jit3A_380 : i32 to vector<16xi32>
      %select_n3A_382 = arith.select %and3A_379, %add3A_179, %broadcast_in_dim3A_381 : vector<16xi1>, vector<16xi32>
      %jit3A_383 = arith.constant 0 : i32
      %broadcast_in_dim3A_384 = vector.broadcast %jit3A_383 : i32 to vector<16xi32>
      %select_n3A_385 = arith.select %and3A_379, %sub3A_181, %broadcast_in_dim3A_384 : vector<16xi1>, vector<16xi32>
      %ge3A_386 = vector.broadcast %convert_element_type3A_281 : f32 to vector<16xf32>
      %ge3A_387 = arith.cmpf oge, %ge3A_386, %get3A_191 : vector<16xf32>
      %le3A_388 = vector.broadcast %convert_element_type3A_281 : f32 to vector<16xf32>
      %le3A_389 = arith.cmpf ole, %le3A_388, %get3A_201 : vector<16xf32>
      %and3A_390 = arith.andi %ge3A_387, %le3A_389 : vector<16xi1>
      %ge3A_391 = arith.constant 0 : i32
      %ge3A_392 = vector.broadcast %ge3A_391 : i32 to vector<16xi32>
      %ge3A_393 = arith.cmpi sge, %sub3A_212, %ge3A_392 : vector<16xi32>
      %and3A_394 = arith.andi %and3A_390, %ge3A_393 : vector<16xi1>
      %jit3A_395 = arith.constant 1048576 : i32
      %broadcast_in_dim3A_396 = vector.broadcast %jit3A_395 : i32 to vector<16xi32>
      %select_n3A_397 = arith.select %and3A_394, %add3A_210, %broadcast_in_dim3A_396 : vector<16xi1>, vector<16xi32>
      %jit3A_398 = arith.constant 0 : i32
      %broadcast_in_dim3A_399 = vector.broadcast %jit3A_398 : i32 to vector<16xi32>
      %select_n3A_400 = arith.select %and3A_394, %sub3A_212, %broadcast_in_dim3A_399 : vector<16xi1>, vector<16xi32>
      %jit3A_401 = arith.constant 4 : i32
      %div3A_402 = arith.divsi %add3A_260, %jit3A_401 : i32
      %sign3A_403 = arith.constant 0 : i32
      %sign3A_404 = arith.cmpi sgt, %add3A_260, %sign3A_403 : i32
      %sign3A_405 = arith.extui %sign3A_404 : i1 to i32
      %sign3A_406 = arith.constant 0 : i32
      %sign3A_407 = arith.cmpi slt, %add3A_260, %sign3A_406 : i32
      %sign3A_408 = arith.extui %sign3A_407 : i1 to i32
      %sign3A_409 = arith.subi %sign3A_405, %sign3A_408 : i32
      %sign3A_410 = arith.constant 0 : i32
      %sign3A_411 = arith.cmpi sgt, %jit3A_401, %sign3A_410 : i32
      %sign3A_412 = arith.extui %sign3A_411 : i1 to i32
      %sign3A_413 = arith.constant 0 : i32
      %sign3A_414 = arith.cmpi slt, %jit3A_401, %sign3A_413 : i32
      %sign3A_415 = arith.extui %sign3A_414 : i1 to i32
      %sign3A_416 = arith.subi %sign3A_412, %sign3A_415 : i32
      %ne3A_417 = arith.cmpi ne, %sign3A_409, %sign3A_416 : i32
      %rem3A_418 = arith.remsi %add3A_260, %jit3A_401 : i32
      %ne3A_419 = arith.constant 0 : i32
      %ne3A_420 = arith.cmpi ne, %rem3A_418, %ne3A_419 : i32
      %and3A_421 = arith.andi %ne3A_417, %ne3A_420 : i1
      %sub3A_422 = arith.constant 1 : i32
      %sub3A_423 = arith.subi %div3A_402, %sub3A_422 : i32
      %select_n3A_424 = arith.select %and3A_421, %sub3A_423, %div3A_402 : i32
      %add3A_425 = arith.addi %mul3A_2, %select_n3A_424 : i32
      %jit3A_426 = arith.constant 4 : i32
      %eq3A_427 = arith.constant 0 : i32
      %eq3A_428 = arith.cmpi eq, %jit3A_426, %eq3A_427 : i32
      %jit3A_429 = arith.constant 1 : i32
      %select_n3A_430 = arith.select %eq3A_428, %jit3A_429, %jit3A_426 : i32
      %rem3A_431 = arith.remsi %add3A_260, %select_n3A_430 : i32
      %ne3A_432 = arith.constant 0 : i32
      %ne3A_433 = arith.cmpi ne, %rem3A_431, %ne3A_432 : i32
      %lt3A_434 = arith.constant 0 : i32
      %lt3A_435 = arith.cmpi slt, %rem3A_431, %lt3A_434 : i32
      %lt3A_436 = arith.constant 0 : i32
      %lt3A_437 = arith.cmpi slt, %select_n3A_430, %lt3A_436 : i32
      %ne3A_438 = arith.xori %lt3A_435, %lt3A_437 : i1
      %and3A_439 = arith.andi %ne3A_438, %ne3A_433 : i1
      %add3A_440 = arith.addi %rem3A_431, %select_n3A_430 : i32
      %select_n3A_441 = arith.select %and3A_439, %add3A_440, %rem3A_431 : i32
      %mul3A_442 = arith.constant 128 : i32
      %mul3A_443 = arith.muli %select_n3A_441, %mul3A_442 : i32
      %dma_wait3A_444 = arith.constant 0 : i32
      %dma_wait3A_445 = tpu.memref_slice %arg2[%add3A_425, %mul3A_443, %dma_wait3A_444] : memref<512x512x100xf32, #tpu.memory_space<hbm>> -> memref<1x128x100xf32, #tpu.memory_space<hbm>>
      %dma_wait3A_446 = tpu.memref_squeeze %dma_wait3A_445 : memref<1x128x100xf32, #tpu.memory_space<hbm>> -> memref<128x100xf32, #tpu.memory_space<hbm>>
      %dma_wait3A_447 = arith.constant 0 : i32
      %dma_wait3A_448 = tpu.memref_slice %arg2[%add3A_425, %mul3A_443, %dma_wait3A_447] : memref<512x512x100xf32, #tpu.memory_space<hbm>> -> memref<1x128x100xf32, #tpu.memory_space<hbm>>
      %dma_wait3A_449 = tpu.memref_squeeze %dma_wait3A_448 : memref<1x128x100xf32, #tpu.memory_space<hbm>> -> memref<128x100xf32, #tpu.memory_space<hbm>>
      tpu.wait_dma2 semaphore(%arg10 : memref<!tpu.dma_semaphore, #tpu.memory_space<semaphore_mem>>) src(%dma_wait3A_449 : memref<128x100xf32, #tpu.memory_space<hbm>>) dst(%arg5 : memref<128x100xf32, #tpu.memory_space<vmem>>)
      %ge3A_450 = arith.constant 1 : i32
      %ge3A_451 = arith.cmpi sge, %scan3A_256, %ge3A_450 : i32
      %convert_element_type3A_452 = arith.extui %ge3A_451 : i1 to i32
      %cond3A = arith.constant 0 : i32
      %cond3A_453 = arith.cmpi ne, %convert_element_type3A_452, %cond3A : i32
      scf.if %cond3A_453 {
        %sub3A_778 = arith.constant 2 : i32
        %sub3A_779 = arith.subi %add3A_260, %sub3A_778 : i32
        %jit3A_780 = arith.constant 4 : i32
        %div3A_781 = arith.divsi %sub3A_779, %jit3A_780 : i32
        %sign3A_782 = arith.constant 0 : i32
        %sign3A_783 = arith.cmpi sgt, %sub3A_779, %sign3A_782 : i32
        %sign3A_784 = arith.extui %sign3A_783 : i1 to i32
        %sign3A_785 = arith.constant 0 : i32
        %sign3A_786 = arith.cmpi slt, %sub3A_779, %sign3A_785 : i32
        %sign3A_787 = arith.extui %sign3A_786 : i1 to i32
        %sign3A_788 = arith.subi %sign3A_784, %sign3A_787 : i32
        %sign3A_789 = arith.constant 0 : i32
        %sign3A_790 = arith.cmpi sgt, %jit3A_780, %sign3A_789 : i32
        %sign3A_791 = arith.extui %sign3A_790 : i1 to i32
        %sign3A_792 = arith.constant 0 : i32
        %sign3A_793 = arith.cmpi slt, %jit3A_780, %sign3A_792 : i32
        %sign3A_794 = arith.extui %sign3A_793 : i1 to i32
        %sign3A_795 = arith.subi %sign3A_791, %sign3A_794 : i32
        %ne3A_796 = arith.cmpi ne, %sign3A_788, %sign3A_795 : i32
        %rem3A_797 = arith.remsi %sub3A_779, %jit3A_780 : i32
        %ne3A_798 = arith.constant 0 : i32
        %ne3A_799 = arith.cmpi ne, %rem3A_797, %ne3A_798 : i32
        %and3A_800 = arith.andi %ne3A_796, %ne3A_799 : i1
        %sub3A_801 = arith.constant 1 : i32
        %sub3A_802 = arith.subi %div3A_781, %sub3A_801 : i32
        %select_n3A_803 = arith.select %and3A_800, %sub3A_802, %div3A_781 : i32
        %add3A_804 = arith.addi %mul3A_2, %select_n3A_803 : i32
        %jit3A_805 = arith.constant 4 : i32
        %eq3A_806 = arith.constant 0 : i32
        %eq3A_807 = arith.cmpi eq, %jit3A_805, %eq3A_806 : i32
        %jit3A_808 = arith.constant 1 : i32
        %select_n3A_809 = arith.select %eq3A_807, %jit3A_808, %jit3A_805 : i32
        %rem3A_810 = arith.remsi %sub3A_779, %select_n3A_809 : i32
        %ne3A_811 = arith.constant 0 : i32
        %ne3A_812 = arith.cmpi ne, %rem3A_810, %ne3A_811 : i32
        %lt3A_813 = arith.constant 0 : i32
        %lt3A_814 = arith.cmpi slt, %rem3A_810, %lt3A_813 : i32
        %lt3A_815 = arith.constant 0 : i32
        %lt3A_816 = arith.cmpi slt, %select_n3A_809, %lt3A_815 : i32
        %ne3A_817 = arith.xori %lt3A_814, %lt3A_816 : i1
        %and3A_818 = arith.andi %ne3A_817, %ne3A_812 : i1
        %add3A_819 = arith.addi %rem3A_810, %select_n3A_809 : i32
        %select_n3A_820 = arith.select %and3A_818, %add3A_819, %rem3A_810 : i32
        %mul3A_821 = arith.constant 128 : i32
        %mul3A_822 = arith.muli %select_n3A_820, %mul3A_821 : i32
        %dma_wait3A_823 = arith.constant 0 : i32
        %dma_wait3A_824 = tpu.memref_slice %arg4[%add3A_804, %mul3A_822, %dma_wait3A_823] : memref<512x512x100xf32, #tpu.memory_space<hbm>> -> memref<1x128x100xf32, #tpu.memory_space<hbm>>
        %dma_wait3A_825 = tpu.memref_squeeze %dma_wait3A_824 : memref<1x128x100xf32, #tpu.memory_space<hbm>> -> memref<128x100xf32, #tpu.memory_space<hbm>>
        %dma_wait3A_826 = arith.constant 0 : i32
        %dma_wait3A_827 = tpu.memref_slice %arg4[%add3A_804, %mul3A_822, %dma_wait3A_826] : memref<512x512x100xf32, #tpu.memory_space<hbm>> -> memref<1x128x100xf32, #tpu.memory_space<hbm>>
        %dma_wait3A_828 = tpu.memref_squeeze %dma_wait3A_827 : memref<1x128x100xf32, #tpu.memory_space<hbm>> -> memref<128x100xf32, #tpu.memory_space<hbm>>
        tpu.wait_dma2 semaphore(%arg12 : memref<!tpu.dma_semaphore, #tpu.memory_space<semaphore_mem>>) src(%arg7 : memref<128x100xf32, #tpu.memory_space<vmem>>) dst(%dma_wait3A_828 : memref<128x100xf32, #tpu.memory_space<hbm>>)
      } else {
      }
      %parallel_loop3A = arith.constant 0 : i32
      %parallel_loop3A_454 = arith.constant 128 : i32
      %parallel_loop3A_455 = arith.constant 1 : i32
      scf.for %parallel_loop3A_778 = %parallel_loop3A to %parallel_loop3A_454 step %parallel_loop3A_455  : i32 {
        %parallel_loop3A_779 = arith.addi %mul3A_297, %parallel_loop3A_778 : i32
        %parallel_loop3A_780 = arith.index_cast %parallel_loop3A_778 : i32 to index
        %parallel_loop3A_781 = arith.constant 0 : index
        %parallel_loop3A_782 = tpu.vector_load %arg5[%parallel_loop3A_780, %parallel_loop3A_781] {strides = array<i32>} : memref<128x100xf32, #tpu.memory_space<vmem>>, vector<1x16xf32>,
        %parallel_loop3A_783 = vector.shape_cast %parallel_loop3A_782 : vector<1x16xf32> to vector<16xf32>
        %parallel_loop3A_784 = vector.broadcast %parallel_loop3A_779 : i32 to vector<16xi32>
        %parallel_loop3A_785 = arith.subi %parallel_loop3A_784, %select_n3A_307 : vector<16xi32>
        %parallel_loop3A_786 = arith.cmpi ule, %parallel_loop3A_785, %select_n3A_310 : vector<16xi32>
        %parallel_loop3A_787 = arith.constant 0.000000e+00 : f32
        %parallel_loop3A_788 = vector.broadcast %parallel_loop3A_787 : f32 to vector<16xf32>
        %parallel_loop3A_789 = arith.select %parallel_loop3A_786, %parallel_loop3A_783, %parallel_loop3A_788 : vector<16xi1>, vector<16xf32>
        %parallel_loop3A_790 = arith.index_cast %parallel_loop3A_778 : i32 to index
        %parallel_loop3A_791 = arith.constant 0 : index
        %parallel_loop3A_792 = tpu.vector_load %arg7[%parallel_loop3A_790, %parallel_loop3A_791] {strides = array<i32>} : memref<128x100xf32, #tpu.memory_space<vmem>>, vector<1x16xf32>,
        %parallel_loop3A_793 = vector.shape_cast %parallel_loop3A_792 : vector<1x16xf32> to vector<16xf32>
        %parallel_loop3A_794 = vector.shape_cast %parallel_loop3A_789 : vector<16xf32> to vector<1x16xf32>
        tpu.vector_store %arg7[%parallel_loop3A_790, %parallel_loop3A_791], %parallel_loop3A_794 {strides = array<i32>} : memref<128x100xf32, #tpu.memory_space<vmem>>, vector<1x16xf32>,
        %parallel_loop3A_795 = arith.index_cast %parallel_loop3A_778 : i32 to index
        %parallel_loop3A_796 = arith.constant 16 : index
        %parallel_loop3A_797 = tpu.vector_load %arg5[%parallel_loop3A_795, %parallel_loop3A_796] {strides = array<i32>} : memref<128x100xf32, #tpu.memory_space<vmem>>, vector<1x16xf32>,
        %parallel_loop3A_798 = vector.shape_cast %parallel_loop3A_797 : vector<1x16xf32> to vector<16xf32>
        %parallel_loop3A_799 = vector.broadcast %parallel_loop3A_779 : i32 to vector<16xi32>
        %parallel_loop3A_800 = arith.subi %parallel_loop3A_799, %select_n3A_322 : vector<16xi32>
        %parallel_loop3A_801 = arith.cmpi ule, %parallel_loop3A_800, %select_n3A_325 : vector<16xi32>
        %parallel_loop3A_802 = arith.constant 0.000000e+00 : f32
        %parallel_loop3A_803 = vector.broadcast %parallel_loop3A_802 : f32 to vector<16xf32>
        %parallel_loop3A_804 = arith.select %parallel_loop3A_801, %parallel_loop3A_798, %parallel_loop3A_803 : vector<16xi1>, vector<16xf32>
        %parallel_loop3A_805 = arith.index_cast %parallel_loop3A_778 : i32 to index
        %parallel_loop3A_806 = arith.constant 16 : index
        %parallel_loop3A_807 = tpu.vector_load %arg7[%parallel_loop3A_805, %parallel_loop3A_806] {strides = array<i32>} : memref<128x100xf32, #tpu.memory_space<vmem>>, vector<1x16xf32>,
        %parallel_loop3A_808 = vector.shape_cast %parallel_loop3A_807 : vector<1x16xf32> to vector<16xf32>
        %parallel_loop3A_809 = vector.shape_cast %parallel_loop3A_804 : vector<16xf32> to vector<1x16xf32>
        tpu.vector_store %arg7[%parallel_loop3A_805, %parallel_loop3A_806], %parallel_loop3A_809 {strides = array<i32>} : memref<128x100xf32, #tpu.memory_space<vmem>>, vector<1x16xf32>,
        %parallel_loop3A_810 = arith.index_cast %parallel_loop3A_778 : i32 to index
        %parallel_loop3A_811 = arith.constant 32 : index
        %parallel_loop3A_812 = tpu.vector_load %arg5[%parallel_loop3A_810, %parallel_loop3A_811] {strides = array<i32>} : memref<128x100xf32, #tpu.memory_space<vmem>>, vector<1x16xf32>,
        %parallel_loop3A_813 = vector.shape_cast %parallel_loop3A_812 : vector<1x16xf32> to vector<16xf32>
        %parallel_loop3A_814 = vector.broadcast %parallel_loop3A_779 : i32 to vector<16xi32>
        %parallel_loop3A_815 = arith.subi %parallel_loop3A_814, %select_n3A_337 : vector<16xi32>
        %parallel_loop3A_816 = arith.cmpi ule, %parallel_loop3A_815, %select_n3A_340 : vector<16xi32>
        %parallel_loop3A_817 = arith.constant 0.000000e+00 : f32
        %parallel_loop3A_818 = vector.broadcast %parallel_loop3A_817 : f32 to vector<16xf32>
        %parallel_loop3A_819 = arith.select %parallel_loop3A_816, %parallel_loop3A_813, %parallel_loop3A_818 : vector<16xi1>, vector<16xf32>
        %parallel_loop3A_820 = arith.index_cast %parallel_loop3A_778 : i32 to index
        %parallel_loop3A_821 = arith.constant 32 : index
        %parallel_loop3A_822 = tpu.vector_load %arg7[%parallel_loop3A_820, %parallel_loop3A_821] {strides = array<i32>} : memref<128x100xf32, #tpu.memory_space<vmem>>, vector<1x16xf32>,
        %parallel_loop3A_823 = vector.shape_cast %parallel_loop3A_822 : vector<1x16xf32> to vector<16xf32>
        %parallel_loop3A_824 = vector.shape_cast %parallel_loop3A_819 : vector<16xf32> to vector<1x16xf32>
        tpu.vector_store %arg7[%parallel_loop3A_820, %parallel_loop3A_821], %parallel_loop3A_824 {strides = array<i32>} : memref<128x100xf32, #tpu.memory_space<vmem>>, vector<1x16xf32>,
        %parallel_loop3A_825 = arith.index_cast %parallel_loop3A_778 : i32 to index
        %parallel_loop3A_826 = arith.constant 48 : index
        %parallel_loop3A_827 = tpu.vector_load %arg5[%parallel_loop3A_825, %parallel_loop3A_826] {strides = array<i32>} : memref<128x100xf32, #tpu.memory_space<vmem>>, vector<1x16xf32>,
        %parallel_loop3A_828 = vector.shape_cast %parallel_loop3A_827 : vector<1x16xf32> to vector<16xf32>
        %parallel_loop3A_829 = vector.broadcast %parallel_loop3A_779 : i32 to vector<16xi32>
        %parallel_loop3A_830 = arith.subi %parallel_loop3A_829, %select_n3A_352 : vector<16xi32>
        %parallel_loop3A_831 = arith.cmpi ule, %parallel_loop3A_830, %select_n3A_355 : vector<16xi32>
        %parallel_loop3A_832 = arith.constant 0.000000e+00 : f32
        %parallel_loop3A_833 = vector.broadcast %parallel_loop3A_832 : f32 to vector<16xf32>
        %parallel_loop3A_834 = arith.select %parallel_loop3A_831, %parallel_loop3A_828, %parallel_loop3A_833 : vector<16xi1>, vector<16xf32>
        %parallel_loop3A_835 = arith.index_cast %parallel_loop3A_778 : i32 to index
        %parallel_loop3A_836 = arith.constant 48 : index
        %parallel_loop3A_837 = tpu.vector_load %arg7[%parallel_loop3A_835, %parallel_loop3A_836] {strides = array<i32>} : memref<128x100xf32, #tpu.memory_space<vmem>>, vector<1x16xf32>,
        %parallel_loop3A_838 = vector.shape_cast %parallel_loop3A_837 : vector<1x16xf32> to vector<16xf32>
        %parallel_loop3A_839 = vector.shape_cast %parallel_loop3A_834 : vector<16xf32> to vector<1x16xf32>
        tpu.vector_store %arg7[%parallel_loop3A_835, %parallel_loop3A_836], %parallel_loop3A_839 {strides = array<i32>} : memref<128x100xf32, #tpu.memory_space<vmem>>, vector<1x16xf32>,
        %parallel_loop3A_840 = arith.index_cast %parallel_loop3A_778 : i32 to index
        %parallel_loop3A_841 = arith.constant 64 : index
        %parallel_loop3A_842 = tpu.vector_load %arg5[%parallel_loop3A_840, %parallel_loop3A_841] {strides = array<i32>} : memref<128x100xf32, #tpu.memory_space<vmem>>, vector<1x16xf32>,
        %parallel_loop3A_843 = vector.shape_cast %parallel_loop3A_842 : vector<1x16xf32> to vector<16xf32>
        %parallel_loop3A_844 = vector.broadcast %parallel_loop3A_779 : i32 to vector<16xi32>
        %parallel_loop3A_845 = arith.subi %parallel_loop3A_844, %select_n3A_367 : vector<16xi32>
        %parallel_loop3A_846 = arith.cmpi ule, %parallel_loop3A_845, %select_n3A_370 : vector<16xi32>
        %parallel_loop3A_847 = arith.constant 0.000000e+00 : f32
        %parallel_loop3A_848 = vector.broadcast %parallel_loop3A_847 : f32 to vector<16xf32>
        %parallel_loop3A_849 = arith.select %parallel_loop3A_846, %parallel_loop3A_843, %parallel_loop3A_848 : vector<16xi1>, vector<16xf32>
        %parallel_loop3A_850 = arith.index_cast %parallel_loop3A_778 : i32 to index
        %parallel_loop3A_851 = arith.constant 64 : index
        %parallel_loop3A_852 = tpu.vector_load %arg7[%parallel_loop3A_850, %parallel_loop3A_851] {strides = array<i32>} : memref<128x100xf32, #tpu.memory_space<vmem>>, vector<1x16xf32>,
        %parallel_loop3A_853 = vector.shape_cast %parallel_loop3A_852 : vector<1x16xf32> to vector<16xf32>
        %parallel_loop3A_854 = vector.shape_cast %parallel_loop3A_849 : vector<16xf32> to vector<1x16xf32>
        tpu.vector_store %arg7[%parallel_loop3A_850, %parallel_loop3A_851], %parallel_loop3A_854 {strides = array<i32>} : memref<128x100xf32, #tpu.memory_space<vmem>>, vector<1x16xf32>,
        %parallel_loop3A_855 = arith.index_cast %parallel_loop3A_778 : i32 to index
        %parallel_loop3A_856 = arith.constant 80 : index
        %parallel_loop3A_857 = tpu.vector_load %arg5[%parallel_loop3A_855, %parallel_loop3A_856] {strides = array<i32>} : memref<128x100xf32, #tpu.memory_space<vmem>>, vector<1x16xf32>,
        %parallel_loop3A_858 = vector.shape_cast %parallel_loop3A_857 : vector<1x16xf32> to vector<16xf32>
        %parallel_loop3A_859 = vector.broadcast %parallel_loop3A_779 : i32 to vector<16xi32>
        %parallel_loop3A_860 = arith.subi %parallel_loop3A_859, %select_n3A_382 : vector<16xi32>
        %parallel_loop3A_861 = arith.cmpi ule, %parallel_loop3A_860, %select_n3A_385 : vector<16xi32>
        %parallel_loop3A_862 = arith.constant 0.000000e+00 : f32
        %parallel_loop3A_863 = vector.broadcast %parallel_loop3A_862 : f32 to vector<16xf32>
        %parallel_loop3A_864 = arith.select %parallel_loop3A_861, %parallel_loop3A_858, %parallel_loop3A_863 : vector<16xi1>, vector<16xf32>
        %parallel_loop3A_865 = arith.index_cast %parallel_loop3A_778 : i32 to index
        %parallel_loop3A_866 = arith.constant 80 : index
        %parallel_loop3A_867 = tpu.vector_load %arg7[%parallel_loop3A_865, %parallel_loop3A_866] {strides = array<i32>} : memref<128x100xf32, #tpu.memory_space<vmem>>, vector<1x16xf32>,
        %parallel_loop3A_868 = vector.shape_cast %parallel_loop3A_867 : vector<1x16xf32> to vector<16xf32>
        %parallel_loop3A_869 = vector.shape_cast %parallel_loop3A_864 : vector<16xf32> to vector<1x16xf32>
        tpu.vector_store %arg7[%parallel_loop3A_865, %parallel_loop3A_866], %parallel_loop3A_869 {strides = array<i32>} : memref<128x100xf32, #tpu.memory_space<vmem>>, vector<1x16xf32>,
        %parallel_loop3A_870 = arith.index_cast %parallel_loop3A_778 : i32 to index
        %parallel_loop3A_871 = arith.constant 84 : index
        %parallel_loop3A_872 = tpu.vector_load %arg5[%parallel_loop3A_870, %parallel_loop3A_871] {strides = array<i32>} : memref<128x100xf32, #tpu.memory_space<vmem>>, vector<1x16xf32>,
        %parallel_loop3A_873 = vector.shape_cast %parallel_loop3A_872 : vector<1x16xf32> to vector<16xf32>
        %parallel_loop3A_874 = vector.broadcast %parallel_loop3A_779 : i32 to vector<16xi32>
        %parallel_loop3A_875 = arith.subi %parallel_loop3A_874, %select_n3A_397 : vector<16xi32>
        %parallel_loop3A_876 = arith.cmpi ule, %parallel_loop3A_875, %select_n3A_400 : vector<16xi32>
        %parallel_loop3A_877 = arith.constant 0.000000e+00 : f32
        %parallel_loop3A_878 = vector.broadcast %parallel_loop3A_877 : f32 to vector<16xf32>
        %parallel_loop3A_879 = arith.select %parallel_loop3A_876, %parallel_loop3A_873, %parallel_loop3A_878 : vector<16xi1>, vector<16xf32>
        %parallel_loop3A_880 = arith.index_cast %parallel_loop3A_778 : i32 to index
        %parallel_loop3A_881 = arith.constant 84 : index
        %parallel_loop3A_882 = tpu.vector_load %arg7[%parallel_loop3A_880, %parallel_loop3A_881] {strides = array<i32>} : memref<128x100xf32, #tpu.memory_space<vmem>>, vector<1x16xf32>,
        %parallel_loop3A_883 = vector.shape_cast %parallel_loop3A_882 : vector<1x16xf32> to vector<16xf32>
        %parallel_loop3A_884 = vector.shape_cast %parallel_loop3A_879 : vector<16xf32> to vector<1x16xf32>
        tpu.vector_store %arg7[%parallel_loop3A_880, %parallel_loop3A_881], %parallel_loop3A_884 {strides = array<i32>} : memref<128x100xf32, #tpu.memory_space<vmem>>, vector<1x16xf32>,
      } {sc.loop_unroll_factor = 8 : i64, sc.parallel_access}
      %jit3A_456 = arith.constant 4 : i32
      %div3A_457 = arith.divsi %add3A_260, %jit3A_456 : i32
      %sign3A_458 = arith.constant 0 : i32
      %sign3A_459 = arith.cmpi sgt, %add3A_260, %sign3A_458 : i32
      %sign3A_460 = arith.extui %sign3A_459 : i1 to i32
      %sign3A_461 = arith.constant 0 : i32
      %sign3A_462 = arith.cmpi slt, %add3A_260, %sign3A_461 : i32
      %sign3A_463 = arith.extui %sign3A_462 : i1 to i32
      %sign3A_464 = arith.subi %sign3A_460, %sign3A_463 : i32
      %sign3A_465 = arith.constant 0 : i32
      %sign3A_466 = arith.cmpi sgt, %jit3A_456, %sign3A_465 : i32
      %sign3A_467 = arith.extui %sign3A_466 : i1 to i32
      %sign3A_468 = arith.constant 0 : i32
      %sign3A_469 = arith.cmpi slt, %jit3A_456, %sign3A_468 : i32
      %sign3A_470 = arith.extui %sign3A_469 : i1 to i32
      %sign3A_471 = arith.subi %sign3A_467, %sign3A_470 : i32
      %ne3A_472 = arith.cmpi ne, %sign3A_464, %sign3A_471 : i32
      %rem3A_473 = arith.remsi %add3A_260, %jit3A_456 : i32
      %ne3A_474 = arith.constant 0 : i32
      %ne3A_475 = arith.cmpi ne, %rem3A_473, %ne3A_474 : i32
      %and3A_476 = arith.andi %ne3A_472, %ne3A_475 : i1
      %sub3A_477 = arith.constant 1 : i32
      %sub3A_478 = arith.subi %div3A_457, %sub3A_477 : i32
      %select_n3A_479 = arith.select %and3A_476, %sub3A_478, %div3A_457 : i32
      %add3A_480 = arith.addi %mul3A_2, %select_n3A_479 : i32
      %jit3A_481 = arith.constant 4 : i32
      %eq3A_482 = arith.constant 0 : i32
      %eq3A_483 = arith.cmpi eq, %jit3A_481, %eq3A_482 : i32
      %jit3A_484 = arith.constant 1 : i32
      %select_n3A_485 = arith.select %eq3A_483, %jit3A_484, %jit3A_481 : i32
      %rem3A_486 = arith.remsi %add3A_260, %select_n3A_485 : i32
      %ne3A_487 = arith.constant 0 : i32
      %ne3A_488 = arith.cmpi ne, %rem3A_486, %ne3A_487 : i32
      %lt3A_489 = arith.constant 0 : i32
      %lt3A_490 = arith.cmpi slt, %rem3A_486, %lt3A_489 : i32
      %lt3A_491 = arith.constant 0 : i32
      %lt3A_492 = arith.cmpi slt, %select_n3A_485, %lt3A_491 : i32
      %ne3A_493 = arith.xori %lt3A_490, %lt3A_492 : i1
      %and3A_494 = arith.andi %ne3A_493, %ne3A_488 : i1
      %add3A_495 = arith.addi %rem3A_486, %select_n3A_485 : i32
      %select_n3A_496 = arith.select %and3A_494, %add3A_495, %rem3A_486 : i32
      %mul3A_497 = arith.constant 128 : i32
      %mul3A_498 = arith.muli %select_n3A_496, %mul3A_497 : i32
      %dma_start3A_499 = arith.constant 0 : i32
      %dma_start3A_500 = tpu.memref_slice %arg4[%add3A_480, %mul3A_498, %dma_start3A_499] : memref<512x512x100xf32, #tpu.memory_space<hbm>> -> memref<1x128x100xf32, #tpu.memory_space<hbm>>
      %dma_start3A_501 = tpu.memref_squeeze %dma_start3A_500 : memref<1x128x100xf32, #tpu.memory_space<hbm>> -> memref<128x100xf32, #tpu.memory_space<hbm>>
      %dma_start3A_502 = arith.constant 0 : i32
      %dma_start3A_503 = tpu.memref_slice %arg4[%add3A_480, %mul3A_498, %dma_start3A_502] : memref<512x512x100xf32, #tpu.memory_space<hbm>> -> memref<1x128x100xf32, #tpu.memory_space<hbm>>
      %dma_start3A_504 = tpu.memref_squeeze %dma_start3A_503 : memref<1x128x100xf32, #tpu.memory_space<hbm>> -> memref<128x100xf32, #tpu.memory_space<hbm>>
      tpu.enqueue_dma source(%arg7 : memref<128x100xf32, #tpu.memory_space<vmem>>) target(%dma_start3A_504 : memref<128x100xf32, #tpu.memory_space<hbm>>) target_semaphore(%arg12 : memref<!tpu.dma_semaphore, #tpu.memory_space<semaphore_mem>>)
      %add3A_505 = arith.constant 2 : i32
      %add3A_506 = arith.addi %add3A_260, %add3A_505 : i32
      %lt3A_507 = arith.constant 64 : i32
      %lt3A_508 = arith.cmpi slt, %add3A_506, %lt3A_507 : i32
      %convert_element_type3A_509 = arith.extui %lt3A_508 : i1 to i32
      %cond3A_510 = arith.constant 0 : i32
      %cond3A_511 = arith.cmpi ne, %convert_element_type3A_509, %cond3A_510 : i32
      scf.if %cond3A_511 {
        %add3A_778 = arith.constant 2 : i32
        %add3A_779 = arith.addi %add3A_260, %add3A_778 : i32
        %jit3A_780 = arith.constant 4 : i32
        %div3A_781 = arith.divsi %add3A_779, %jit3A_780 : i32
        %sign3A_782 = arith.constant 0 : i32
        %sign3A_783 = arith.cmpi sgt, %add3A_779, %sign3A_782 : i32
        %sign3A_784 = arith.extui %sign3A_783 : i1 to i32
        %sign3A_785 = arith.constant 0 : i32
        %sign3A_786 = arith.cmpi slt, %add3A_779, %sign3A_785 : i32
        %sign3A_787 = arith.extui %sign3A_786 : i1 to i32
        %sign3A_788 = arith.subi %sign3A_784, %sign3A_787 : i32
        %sign3A_789 = arith.constant 0 : i32
        %sign3A_790 = arith.cmpi sgt, %jit3A_780, %sign3A_789 : i32
        %sign3A_791 = arith.extui %sign3A_790 : i1 to i32
        %sign3A_792 = arith.constant 0 : i32
        %sign3A_793 = arith.cmpi slt, %jit3A_780, %sign3A_792 : i32
        %sign3A_794 = arith.extui %sign3A_793 : i1 to i32
        %sign3A_795 = arith.subi %sign3A_791, %sign3A_794 : i32
        %ne3A_796 = arith.cmpi ne, %sign3A_788, %sign3A_795 : i32
        %rem3A_797 = arith.remsi %add3A_779, %jit3A_780 : i32
        %ne3A_798 = arith.constant 0 : i32
        %ne3A_799 = arith.cmpi ne, %rem3A_797, %ne3A_798 : i32
        %and3A_800 = arith.andi %ne3A_796, %ne3A_799 : i1
        %sub3A_801 = arith.constant 1 : i32
        %sub3A_802 = arith.subi %div3A_781, %sub3A_801 : i32
        %select_n3A_803 = arith.select %and3A_800, %sub3A_802, %div3A_781 : i32
        %add3A_804 = arith.addi %mul3A_2, %select_n3A_803 : i32
        %jit3A_805 = arith.constant 4 : i32
        %eq3A_806 = arith.constant 0 : i32
        %eq3A_807 = arith.cmpi eq, %jit3A_805, %eq3A_806 : i32
        %jit3A_808 = arith.constant 1 : i32
        %select_n3A_809 = arith.select %eq3A_807, %jit3A_808, %jit3A_805 : i32
        %rem3A_810 = arith.remsi %add3A_779, %select_n3A_809 : i32
        %ne3A_811 = arith.constant 0 : i32
        %ne3A_812 = arith.cmpi ne, %rem3A_810, %ne3A_811 : i32
        %lt3A_813 = arith.constant 0 : i32
        %lt3A_814 = arith.cmpi slt, %rem3A_810, %lt3A_813 : i32
        %lt3A_815 = arith.constant 0 : i32
        %lt3A_816 = arith.cmpi slt, %select_n3A_809, %lt3A_815 : i32
        %ne3A_817 = arith.xori %lt3A_814, %lt3A_816 : i1
        %and3A_818 = arith.andi %ne3A_817, %ne3A_812 : i1
        %add3A_819 = arith.addi %rem3A_810, %select_n3A_809 : i32
        %select_n3A_820 = arith.select %and3A_818, %add3A_819, %rem3A_810 : i32
        %mul3A_821 = arith.constant 128 : i32
        %mul3A_822 = arith.muli %select_n3A_820, %mul3A_821 : i32
        %dma_start3A_823 = arith.constant 0 : i32
        %dma_start3A_824 = tpu.memref_slice %arg2[%add3A_804, %mul3A_822, %dma_start3A_823] : memref<512x512x100xf32, #tpu.memory_space<hbm>> -> memref<1x128x100xf32, #tpu.memory_space<hbm>>
        %dma_start3A_825 = tpu.memref_squeeze %dma_start3A_824 : memref<1x128x100xf32, #tpu.memory_space<hbm>> -> memref<128x100xf32, #tpu.memory_space<hbm>>
        %dma_start3A_826 = arith.constant 0 : i32
        %dma_start3A_827 = tpu.memref_slice %arg2[%add3A_804, %mul3A_822, %dma_start3A_826] : memref<512x512x100xf32, #tpu.memory_space<hbm>> -> memref<1x128x100xf32, #tpu.memory_space<hbm>>
        %dma_start3A_828 = tpu.memref_squeeze %dma_start3A_827 : memref<1x128x100xf32, #tpu.memory_space<hbm>> -> memref<128x100xf32, #tpu.memory_space<hbm>>
        tpu.enqueue_dma source(%dma_start3A_828 : memref<128x100xf32, #tpu.memory_space<hbm>>) target(%arg5 : memref<128x100xf32, #tpu.memory_space<vmem>>) target_semaphore(%arg10 : memref<!tpu.dma_semaphore, #tpu.memory_space<semaphore_mem>>)
      } else {
      }
      %mul3A_512 = arith.constant 2 : i32
      %mul3A_513 = arith.muli %scan3A_256, %mul3A_512 : i32
      %add3A_514 = arith.constant 1 : i32
      %add3A_515 = arith.addi %mul3A_513, %add3A_514 : i32
      %jit3A_516 = arith.constant 4 : i32
      %div3A_517 = arith.divsi %add3A_515, %jit3A_516 : i32
      %sign3A_518 = arith.constant 0 : i32
      %sign3A_519 = arith.cmpi sgt, %add3A_515, %sign3A_518 : i32
      %sign3A_520 = arith.extui %sign3A_519 : i1 to i32
      %sign3A_521 = arith.constant 0 : i32
      %sign3A_522 = arith.cmpi slt, %add3A_515, %sign3A_521 : i32
      %sign3A_523 = arith.extui %sign3A_522 : i1 to i32
      %sign3A_524 = arith.subi %sign3A_520, %sign3A_523 : i32
      %sign3A_525 = arith.constant 0 : i32
      %sign3A_526 = arith.cmpi sgt, %jit3A_516, %sign3A_525 : i32
      %sign3A_527 = arith.extui %sign3A_526 : i1 to i32
      %sign3A_528 = arith.constant 0 : i32
      %sign3A_529 = arith.cmpi slt, %jit3A_516, %sign3A_528 : i32
      %sign3A_530 = arith.extui %sign3A_529 : i1 to i32
      %sign3A_531 = arith.subi %sign3A_527, %sign3A_530 : i32
      %ne3A_532 = arith.cmpi ne, %sign3A_524, %sign3A_531 : i32
      %rem3A_533 = arith.remsi %add3A_515, %jit3A_516 : i32
      %ne3A_534 = arith.constant 0 : i32
      %ne3A_535 = arith.cmpi ne, %rem3A_533, %ne3A_534 : i32
      %and3A_536 = arith.andi %ne3A_532, %ne3A_535 : i1
      %sub3A_537 = arith.constant 1 : i32
      %sub3A_538 = arith.subi %div3A_517, %sub3A_537 : i32
      %select_n3A_539 = arith.select %and3A_536, %sub3A_538, %div3A_517 : i32
      %add3A_540 = arith.addi %mul3A_2, %select_n3A_539 : i32
      %convert_element_type3A_541 = arith.sitofp %add3A_540 : i32 to f32
      %jit3A_542 = arith.constant 4 : i32
      %eq3A_543 = arith.constant 0 : i32
      %eq3A_544 = arith.cmpi eq, %jit3A_542, %eq3A_543 : i32
      %jit3A_545 = arith.constant 1 : i32
      %select_n3A_546 = arith.select %eq3A_544, %jit3A_545, %jit3A_542 : i32
      %rem3A_547 = arith.remsi %add3A_515, %select_n3A_546 : i32
      %ne3A_548 = arith.constant 0 : i32
      %ne3A_549 = arith.cmpi ne, %rem3A_547, %ne3A_548 : i32
      %lt3A_550 = arith.constant 0 : i32
      %lt3A_551 = arith.cmpi slt, %rem3A_547, %lt3A_550 : i32
      %lt3A_552 = arith.constant 0 : i32
      %lt3A_553 = arith.cmpi slt, %select_n3A_546, %lt3A_552 : i32
      %ne3A_554 = arith.xori %lt3A_551, %lt3A_553 : i1
      %and3A_555 = arith.andi %ne3A_554, %ne3A_549 : i1
      %add3A_556 = arith.addi %rem3A_547, %select_n3A_546 : i32
      %select_n3A_557 = arith.select %and3A_555, %add3A_556, %rem3A_547 : i32
      %mul3A_558 = arith.constant 128 : i32
      %mul3A_559 = arith.muli %select_n3A_557, %mul3A_558 : i32
      %ge3A_560 = vector.broadcast %convert_element_type3A_541 : f32 to vector<16xf32>
      %ge3A_561 = arith.cmpf oge, %ge3A_560, %get3A_11 : vector<16xf32>
      %le3A_562 = vector.broadcast %convert_element_type3A_541 : f32 to vector<16xf32>
      %le3A_563 = arith.cmpf ole, %le3A_562, %get3A_21 : vector<16xf32>
      %and3A_564 = arith.andi %ge3A_561, %le3A_563 : vector<16xi1>
      %ge3A_565 = arith.constant 0 : i32
      %ge3A_566 = vector.broadcast %ge3A_565 : i32 to vector<16xi32>
      %ge3A_567 = arith.cmpi sge, %sub3A, %ge3A_566 : vector<16xi32>
      %and3A_568 = arith.andi %and3A_564, %ge3A_567 : vector<16xi1>
      %jit3A_569 = arith.constant 1048576 : i32
      %broadcast_in_dim3A_570 = vector.broadcast %jit3A_569 : i32 to vector<16xi32>
      %select_n3A_571 = arith.select %and3A_568, %add3A_25, %broadcast_in_dim3A_570 : vector<16xi1>, vector<16xi32>
      %jit3A_572 = arith.constant 0 : i32
      %broadcast_in_dim3A_573 = vector.broadcast %jit3A_572 : i32 to vector<16xi32>
      %select_n3A_574 = arith.select %and3A_568, %sub3A, %broadcast_in_dim3A_573 : vector<16xi1>, vector<16xi32>
      %ge3A_575 = vector.broadcast %convert_element_type3A_541 : f32 to vector<16xf32>
      %ge3A_576 = arith.cmpf oge, %ge3A_575, %get3A_36 : vector<16xf32>
      %le3A_577 = vector.broadcast %convert_element_type3A_541 : f32 to vector<16xf32>
      %le3A_578 = arith.cmpf ole, %le3A_577, %get3A_46 : vector<16xf32>
      %and3A_579 = arith.andi %ge3A_576, %le3A_578 : vector<16xi1>
      %ge3A_580 = arith.constant 0 : i32
      %ge3A_581 = vector.broadcast %ge3A_580 : i32 to vector<16xi32>
      %ge3A_582 = arith.cmpi sge, %sub3A_57, %ge3A_581 : vector<16xi32>
      %and3A_583 = arith.andi %and3A_579, %ge3A_582 : vector<16xi1>
      %jit3A_584 = arith.constant 1048576 : i32
      %broadcast_in_dim3A_585 = vector.broadcast %jit3A_584 : i32 to vector<16xi32>
      %select_n3A_586 = arith.select %and3A_583, %add3A_55, %broadcast_in_dim3A_585 : vector<16xi1>, vector<16xi32>
      %jit3A_587 = arith.constant 0 : i32
      %broadcast_in_dim3A_588 = vector.broadcast %jit3A_587 : i32 to vector<16xi32>
      %select_n3A_589 = arith.select %and3A_583, %sub3A_57, %broadcast_in_dim3A_588 : vector<16xi1>, vector<16xi32>
      %ge3A_590 = vector.broadcast %convert_element_type3A_541 : f32 to vector<16xf32>
      %ge3A_591 = arith.cmpf oge, %ge3A_590, %get3A_67 : vector<16xf32>
      %le3A_592 = vector.broadcast %convert_element_type3A_541 : f32 to vector<16xf32>
      %le3A_593 = arith.cmpf ole, %le3A_592, %get3A_77 : vector<16xf32>
      %and3A_594 = arith.andi %ge3A_591, %le3A_593 : vector<16xi1>
      %ge3A_595 = arith.constant 0 : i32
      %ge3A_596 = vector.broadcast %ge3A_595 : i32 to vector<16xi32>
      %ge3A_597 = arith.cmpi sge, %sub3A_88, %ge3A_596 : vector<16xi32>
      %and3A_598 = arith.andi %and3A_594, %ge3A_597 : vector<16xi1>
      %jit3A_599 = arith.constant 1048576 : i32
      %broadcast_in_dim3A_600 = vector.broadcast %jit3A_599 : i32 to vector<16xi32>
      %select_n3A_601 = arith.select %and3A_598, %add3A_86, %broadcast_in_dim3A_600 : vector<16xi1>, vector<16xi32>
      %jit3A_602 = arith.constant 0 : i32
      %broadcast_in_dim3A_603 = vector.broadcast %jit3A_602 : i32 to vector<16xi32>
      %select_n3A_604 = arith.select %and3A_598, %sub3A_88, %broadcast_in_dim3A_603 : vector<16xi1>, vector<16xi32>
      %ge3A_605 = vector.broadcast %convert_element_type3A_541 : f32 to vector<16xf32>
      %ge3A_606 = arith.cmpf oge, %ge3A_605, %get3A_98 : vector<16xf32>
      %le3A_607 = vector.broadcast %convert_element_type3A_541 : f32 to vector<16xf32>
      %le3A_608 = arith.cmpf ole, %le3A_607, %get3A_108 : vector<16xf32>
      %and3A_609 = arith.andi %ge3A_606, %le3A_608 : vector<16xi1>
      %ge3A_610 = arith.constant 0 : i32
      %ge3A_611 = vector.broadcast %ge3A_610 : i32 to vector<16xi32>
      %ge3A_612 = arith.cmpi sge, %sub3A_119, %ge3A_611 : vector<16xi32>
      %and3A_613 = arith.andi %and3A_609, %ge3A_612 : vector<16xi1>
      %jit3A_614 = arith.constant 1048576 : i32
      %broadcast_in_dim3A_615 = vector.broadcast %jit3A_614 : i32 to vector<16xi32>
      %select_n3A_616 = arith.select %and3A_613, %add3A_117, %broadcast_in_dim3A_615 : vector<16xi1>, vector<16xi32>
      %jit3A_617 = arith.constant 0 : i32
      %broadcast_in_dim3A_618 = vector.broadcast %jit3A_617 : i32 to vector<16xi32>
      %select_n3A_619 = arith.select %and3A_613, %sub3A_119, %broadcast_in_dim3A_618 : vector<16xi1>, vector<16xi32>
      %ge3A_620 = vector.broadcast %convert_element_type3A_541 : f32 to vector<16xf32>
      %ge3A_621 = arith.cmpf oge, %ge3A_620, %get3A_129 : vector<16xf32>
      %le3A_622 = vector.broadcast %convert_element_type3A_541 : f32 to vector<16xf32>
      %le3A_623 = arith.cmpf ole, %le3A_622, %get3A_139 : vector<16xf32>
      %and3A_624 = arith.andi %ge3A_621, %le3A_623 : vector<16xi1>
      %ge3A_625 = arith.constant 0 : i32
      %ge3A_626 = vector.broadcast %ge3A_625 : i32 to vector<16xi32>
      %ge3A_627 = arith.cmpi sge, %sub3A_150, %ge3A_626 : vector<16xi32>
      %and3A_628 = arith.andi %and3A_624, %ge3A_627 : vector<16xi1>
      %jit3A_629 = arith.constant 1048576 : i32
      %broadcast_in_dim3A_630 = vector.broadcast %jit3A_629 : i32 to vector<16xi32>
      %select_n3A_631 = arith.select %and3A_628, %add3A_148, %broadcast_in_dim3A_630 : vector<16xi1>, vector<16xi32>
      %jit3A_632 = arith.constant 0 : i32
      %broadcast_in_dim3A_633 = vector.broadcast %jit3A_632 : i32 to vector<16xi32>
      %select_n3A_634 = arith.select %and3A_628, %sub3A_150, %broadcast_in_dim3A_633 : vector<16xi1>, vector<16xi32>
      %ge3A_635 = vector.broadcast %convert_element_type3A_541 : f32 to vector<16xf32>
      %ge3A_636 = arith.cmpf oge, %ge3A_635, %get3A_160 : vector<16xf32>
      %le3A_637 = vector.broadcast %convert_element_type3A_541 : f32 to vector<16xf32>
      %le3A_638 = arith.cmpf ole, %le3A_637, %get3A_170 : vector<16xf32>
      %and3A_639 = arith.andi %ge3A_636, %le3A_638 : vector<16xi1>
      %ge3A_640 = arith.constant 0 : i32
      %ge3A_641 = vector.broadcast %ge3A_640 : i32 to vector<16xi32>
      %ge3A_642 = arith.cmpi sge, %sub3A_181, %ge3A_641 : vector<16xi32>
      %and3A_643 = arith.andi %and3A_639, %ge3A_642 : vector<16xi1>
      %jit3A_644 = arith.constant 1048576 : i32
      %broadcast_in_dim3A_645 = vector.broadcast %jit3A_644 : i32 to vector<16xi32>
      %select_n3A_646 = arith.select %and3A_643, %add3A_179, %broadcast_in_dim3A_645 : vector<16xi1>, vector<16xi32>
      %jit3A_647 = arith.constant 0 : i32
      %broadcast_in_dim3A_648 = vector.broadcast %jit3A_647 : i32 to vector<16xi32>
      %select_n3A_649 = arith.select %and3A_643, %sub3A_181, %broadcast_in_dim3A_648 : vector<16xi1>, vector<16xi32>
      %ge3A_650 = vector.broadcast %convert_element_type3A_541 : f32 to vector<16xf32>
      %ge3A_651 = arith.cmpf oge, %ge3A_650, %get3A_191 : vector<16xf32>
      %le3A_652 = vector.broadcast %convert_element_type3A_541 : f32 to vector<16xf32>
      %le3A_653 = arith.cmpf ole, %le3A_652, %get3A_201 : vector<16xf32>
      %and3A_654 = arith.andi %ge3A_651, %le3A_653 : vector<16xi1>
      %ge3A_655 = arith.constant 0 : i32
      %ge3A_656 = vector.broadcast %ge3A_655 : i32 to vector<16xi32>
      %ge3A_657 = arith.cmpi sge, %sub3A_212, %ge3A_656 : vector<16xi32>
      %and3A_658 = arith.andi %and3A_654, %ge3A_657 : vector<16xi1>
      %jit3A_659 = arith.constant 1048576 : i32
      %broadcast_in_dim3A_660 = vector.broadcast %jit3A_659 : i32 to vector<16xi32>
      %select_n3A_661 = arith.select %and3A_658, %add3A_210, %broadcast_in_dim3A_660 : vector<16xi1>, vector<16xi32>
      %jit3A_662 = arith.constant 0 : i32
      %broadcast_in_dim3A_663 = vector.broadcast %jit3A_662 : i32 to vector<16xi32>
      %select_n3A_664 = arith.select %and3A_658, %sub3A_212, %broadcast_in_dim3A_663 : vector<16xi1>, vector<16xi32>
      %jit3A_665 = arith.constant 4 : i32
      %div3A_666 = arith.divsi %add3A_515, %jit3A_665 : i32
      %sign3A_667 = arith.constant 0 : i32
      %sign3A_668 = arith.cmpi sgt, %add3A_515, %sign3A_667 : i32
      %sign3A_669 = arith.extui %sign3A_668 : i1 to i32
      %sign3A_670 = arith.constant 0 : i32
      %sign3A_671 = arith.cmpi slt, %add3A_515, %sign3A_670 : i32
      %sign3A_672 = arith.extui %sign3A_671 : i1 to i32
      %sign3A_673 = arith.subi %sign3A_669, %sign3A_672 : i32
      %sign3A_674 = arith.constant 0 : i32
      %sign3A_675 = arith.cmpi sgt, %jit3A_665, %sign3A_674 : i32
      %sign3A_676 = arith.extui %sign3A_675 : i1 to i32
      %sign3A_677 = arith.constant 0 : i32
      %sign3A_678 = arith.cmpi slt, %jit3A_665, %sign3A_677 : i32
      %sign3A_679 = arith.extui %sign3A_678 : i1 to i32
      %sign3A_680 = arith.subi %sign3A_676, %sign3A_679 : i32
      %ne3A_681 = arith.cmpi ne, %sign3A_673, %sign3A_680 : i32
      %rem3A_682 = arith.remsi %add3A_515, %jit3A_665 : i32
      %ne3A_683 = arith.constant 0 : i32
      %ne3A_684 = arith.cmpi ne, %rem3A_682, %ne3A_683 : i32
      %and3A_685 = arith.andi %ne3A_681, %ne3A_684 : i1
      %sub3A_686 = arith.constant 1 : i32
      %sub3A_687 = arith.subi %div3A_666, %sub3A_686 : i32
      %select_n3A_688 = arith.select %and3A_685, %sub3A_687, %div3A_666 : i32
      %add3A_689 = arith.addi %mul3A_2, %select_n3A_688 : i32
      %jit3A_690 = arith.constant 4 : i32
      %eq3A_691 = arith.constant 0 : i32
      %eq3A_692 = arith.cmpi eq, %jit3A_690, %eq3A_691 : i32
      %jit3A_693 = arith.constant 1 : i32
      %select_n3A_694 = arith.select %eq3A_692, %jit3A_693, %jit3A_690 : i32
      %rem3A_695 = arith.remsi %add3A_515, %select_n3A_694 : i32
      %ne3A_696 = arith.constant 0 : i32
      %ne3A_697 = arith.cmpi ne, %rem3A_695, %ne3A_696 : i32
      %lt3A_698 = arith.constant 0 : i32
      %lt3A_699 = arith.cmpi slt, %rem3A_695, %lt3A_698 : i32
      %lt3A_700 = arith.constant 0 : i32
      %lt3A_701 = arith.cmpi slt, %select_n3A_694, %lt3A_700 : i32
      %ne3A_702 = arith.xori %lt3A_699, %lt3A_701 : i1
      %and3A_703 = arith.andi %ne3A_702, %ne3A_697 : i1
      %add3A_704 = arith.addi %rem3A_695, %select_n3A_694 : i32
      %select_n3A_705 = arith.select %and3A_703, %add3A_704, %rem3A_695 : i32
      %mul3A_706 = arith.constant 128 : i32
      %mul3A_707 = arith.muli %select_n3A_705, %mul3A_706 : i32
      %dma_wait3A_708 = arith.constant 0 : i32
      %dma_wait3A_709 = tpu.memref_slice %arg2[%add3A_689, %mul3A_707, %dma_wait3A_708] : memref<512x512x100xf32, #tpu.memory_space<hbm>> -> memref<1x128x100xf32, #tpu.memory_space<hbm>>
      %dma_wait3A_710 = tpu.memref_squeeze %dma_wait3A_709 : memref<1x128x100xf32, #tpu.memory_space<hbm>> -> memref<128x100xf32, #tpu.memory_space<hbm>>
      %dma_wait3A_711 = arith.constant 0 : i32
      %dma_wait3A_712 = tpu.memref_slice %arg2[%add3A_689, %mul3A_707, %dma_wait3A_711] : memref<512x512x100xf32, #tpu.memory_space<hbm>> -> memref<1x128x100xf32, #tpu.memory_space<hbm>>
      %dma_wait3A_713 = tpu.memref_squeeze %dma_wait3A_712 : memref<1x128x100xf32, #tpu.memory_space<hbm>> -> memref<128x100xf32, #tpu.memory_space<hbm>>
      tpu.wait_dma2 semaphore(%arg11 : memref<!tpu.dma_semaphore, #tpu.memory_space<semaphore_mem>>) src(%dma_wait3A_713 : memref<128x100xf32, #tpu.memory_space<hbm>>) dst(%arg6 : memref<128x100xf32, #tpu.memory_space<vmem>>)
      %ge3A_714 = arith.constant 1 : i32
      %ge3A_715 = arith.cmpi sge, %scan3A_256, %ge3A_714 : i32
      %convert_element_type3A_716 = arith.extui %ge3A_715 : i1 to i32
      %cond3A_717 = arith.constant 0 : i32
      %cond3A_718 = arith.cmpi ne, %convert_element_type3A_716, %cond3A_717 : i32
      scf.if %cond3A_718 {
        %sub3A_778 = arith.constant 2 : i32
        %sub3A_779 = arith.subi %add3A_515, %sub3A_778 : i32
        %jit3A_780 = arith.constant 4 : i32
        %div3A_781 = arith.divsi %sub3A_779, %jit3A_780 : i32
        %sign3A_782 = arith.constant 0 : i32
        %sign3A_783 = arith.cmpi sgt, %sub3A_779, %sign3A_782 : i32
        %sign3A_784 = arith.extui %sign3A_783 : i1 to i32
        %sign3A_785 = arith.constant 0 : i32
        %sign3A_786 = arith.cmpi slt, %sub3A_779, %sign3A_785 : i32
        %sign3A_787 = arith.extui %sign3A_786 : i1 to i32
        %sign3A_788 = arith.subi %sign3A_784, %sign3A_787 : i32
        %sign3A_789 = arith.constant 0 : i32
        %sign3A_790 = arith.cmpi sgt, %jit3A_780, %sign3A_789 : i32
        %sign3A_791 = arith.extui %sign3A_790 : i1 to i32
        %sign3A_792 = arith.constant 0 : i32
        %sign3A_793 = arith.cmpi slt, %jit3A_780, %sign3A_792 : i32
        %sign3A_794 = arith.extui %sign3A_793 : i1 to i32
        %sign3A_795 = arith.subi %sign3A_791, %sign3A_794 : i32
        %ne3A_796 = arith.cmpi ne, %sign3A_788, %sign3A_795 : i32
        %rem3A_797 = arith.remsi %sub3A_779, %jit3A_780 : i32
        %ne3A_798 = arith.constant 0 : i32
        %ne3A_799 = arith.cmpi ne, %rem3A_797, %ne3A_798 : i32
        %and3A_800 = arith.andi %ne3A_796, %ne3A_799 : i1
        %sub3A_801 = arith.constant 1 : i32
        %sub3A_802 = arith.subi %div3A_781, %sub3A_801 : i32
        %select_n3A_803 = arith.select %and3A_800, %sub3A_802, %div3A_781 : i32
        %add3A_804 = arith.addi %mul3A_2, %select_n3A_803 : i32
        %jit3A_805 = arith.constant 4 : i32
        %eq3A_806 = arith.constant 0 : i32
        %eq3A_807 = arith.cmpi eq, %jit3A_805, %eq3A_806 : i32
        %jit3A_808 = arith.constant 1 : i32
        %select_n3A_809 = arith.select %eq3A_807, %jit3A_808, %jit3A_805 : i32
        %rem3A_810 = arith.remsi %sub3A_779, %select_n3A_809 : i32
        %ne3A_811 = arith.constant 0 : i32
        %ne3A_812 = arith.cmpi ne, %rem3A_810, %ne3A_811 : i32
        %lt3A_813 = arith.constant 0 : i32
        %lt3A_814 = arith.cmpi slt, %rem3A_810, %lt3A_813 : i32
        %lt3A_815 = arith.constant 0 : i32
        %lt3A_816 = arith.cmpi slt, %select_n3A_809, %lt3A_815 : i32
        %ne3A_817 = arith.xori %lt3A_814, %lt3A_816 : i1
        %and3A_818 = arith.andi %ne3A_817, %ne3A_812 : i1
        %add3A_819 = arith.addi %rem3A_810, %select_n3A_809 : i32
        %select_n3A_820 = arith.select %and3A_818, %add3A_819, %rem3A_810 : i32
        %mul3A_821 = arith.constant 128 : i32
        %mul3A_822 = arith.muli %select_n3A_820, %mul3A_821 : i32
        %dma_wait3A_823 = arith.constant 0 : i32
        %dma_wait3A_824 = tpu.memref_slice %arg4[%add3A_804, %mul3A_822, %dma_wait3A_823] : memref<512x512x100xf32, #tpu.memory_space<hbm>> -> memref<1x128x100xf32, #tpu.memory_space<hbm>>
        %dma_wait3A_825 = tpu.memref_squeeze %dma_wait3A_824 : memref<1x128x100xf32, #tpu.memory_space<hbm>> -> memref<128x100xf32, #tpu.memory_space<hbm>>
        %dma_wait3A_826 = arith.constant 0 : i32
        %dma_wait3A_827 = tpu.memref_slice %arg4[%add3A_804, %mul3A_822, %dma_wait3A_826] : memref<512x512x100xf32, #tpu.memory_space<hbm>> -> memref<1x128x100xf32, #tpu.memory_space<hbm>>
        %dma_wait3A_828 = tpu.memref_squeeze %dma_wait3A_827 : memref<1x128x100xf32, #tpu.memory_space<hbm>> -> memref<128x100xf32, #tpu.memory_space<hbm>>
        tpu.wait_dma2 semaphore(%arg13 : memref<!tpu.dma_semaphore, #tpu.memory_space<semaphore_mem>>) src(%arg8 : memref<128x100xf32, #tpu.memory_space<vmem>>) dst(%dma_wait3A_828 : memref<128x100xf32, #tpu.memory_space<hbm>>)
      } else {
      }
      %parallel_loop3A_719 = arith.constant 0 : i32
      %parallel_loop3A_720 = arith.constant 128 : i32
      %parallel_loop3A_721 = arith.constant 1 : i32
      scf.for %parallel_loop3A_778 = %parallel_loop3A_719 to %parallel_loop3A_720 step %parallel_loop3A_721  : i32 {
        %parallel_loop3A_779 = arith.addi %mul3A_559, %parallel_loop3A_778 : i32
        %parallel_loop3A_780 = arith.index_cast %parallel_loop3A_778 : i32 to index
        %parallel_loop3A_781 = arith.constant 0 : index
        %parallel_loop3A_782 = tpu.vector_load %arg6[%parallel_loop3A_780, %parallel_loop3A_781] {strides = array<i32>} : memref<128x100xf32, #tpu.memory_space<vmem>>, vector<1x16xf32>,
        %parallel_loop3A_783 = vector.shape_cast %parallel_loop3A_782 : vector<1x16xf32> to vector<16xf32>
        %parallel_loop3A_784 = vector.broadcast %parallel_loop3A_779 : i32 to vector<16xi32>
        %parallel_loop3A_785 = arith.subi %parallel_loop3A_784, %select_n3A_571 : vector<16xi32>
        %parallel_loop3A_786 = arith.cmpi ule, %parallel_loop3A_785, %select_n3A_574 : vector<16xi32>
        %parallel_loop3A_787 = arith.constant 0.000000e+00 : f32
        %parallel_loop3A_788 = vector.broadcast %parallel_loop3A_787 : f32 to vector<16xf32>
        %parallel_loop3A_789 = arith.select %parallel_loop3A_786, %parallel_loop3A_783, %parallel_loop3A_788 : vector<16xi1>, vector<16xf32>
        %parallel_loop3A_790 = arith.index_cast %parallel_loop3A_778 : i32 to index
        %parallel_loop3A_791 = arith.constant 0 : index
        %parallel_loop3A_792 = tpu.vector_load %arg8[%parallel_loop3A_790, %parallel_loop3A_791] {strides = array<i32>} : memref<128x100xf32, #tpu.memory_space<vmem>>, vector<1x16xf32>,
        %parallel_loop3A_793 = vector.shape_cast %parallel_loop3A_792 : vector<1x16xf32> to vector<16xf32>
        %parallel_loop3A_794 = vector.shape_cast %parallel_loop3A_789 : vector<16xf32> to vector<1x16xf32>
        tpu.vector_store %arg8[%parallel_loop3A_790, %parallel_loop3A_791], %parallel_loop3A_794 {strides = array<i32>} : memref<128x100xf32, #tpu.memory_space<vmem>>, vector<1x16xf32>,
        %parallel_loop3A_795 = arith.index_cast %parallel_loop3A_778 : i32 to index
        %parallel_loop3A_796 = arith.constant 16 : index
        %parallel_loop3A_797 = tpu.vector_load %arg6[%parallel_loop3A_795, %parallel_loop3A_796] {strides = array<i32>} : memref<128x100xf32, #tpu.memory_space<vmem>>, vector<1x16xf32>,
        %parallel_loop3A_798 = vector.shape_cast %parallel_loop3A_797 : vector<1x16xf32> to vector<16xf32>
        %parallel_loop3A_799 = vector.broadcast %parallel_loop3A_779 : i32 to vector<16xi32>
        %parallel_loop3A_800 = arith.subi %parallel_loop3A_799, %select_n3A_586 : vector<16xi32>
        %parallel_loop3A_801 = arith.cmpi ule, %parallel_loop3A_800, %select_n3A_589 : vector<16xi32>
        %parallel_loop3A_802 = arith.constant 0.000000e+00 : f32
        %parallel_loop3A_803 = vector.broadcast %parallel_loop3A_802 : f32 to vector<16xf32>
        %parallel_loop3A_804 = arith.select %parallel_loop3A_801, %parallel_loop3A_798, %parallel_loop3A_803 : vector<16xi1>, vector<16xf32>
        %parallel_loop3A_805 = arith.index_cast %parallel_loop3A_778 : i32 to index
        %parallel_loop3A_806 = arith.constant 16 : index
        %parallel_loop3A_807 = tpu.vector_load %arg8[%parallel_loop3A_805, %parallel_loop3A_806] {strides = array<i32>} : memref<128x100xf32, #tpu.memory_space<vmem>>, vector<1x16xf32>,
        %parallel_loop3A_808 = vector.shape_cast %parallel_loop3A_807 : vector<1x16xf32> to vector<16xf32>
        %parallel_loop3A_809 = vector.shape_cast %parallel_loop3A_804 : vector<16xf32> to vector<1x16xf32>
        tpu.vector_store %arg8[%parallel_loop3A_805, %parallel_loop3A_806], %parallel_loop3A_809 {strides = array<i32>} : memref<128x100xf32, #tpu.memory_space<vmem>>, vector<1x16xf32>,
        %parallel_loop3A_810 = arith.index_cast %parallel_loop3A_778 : i32 to index
        %parallel_loop3A_811 = arith.constant 32 : index
        %parallel_loop3A_812 = tpu.vector_load %arg6[%parallel_loop3A_810, %parallel_loop3A_811] {strides = array<i32>} : memref<128x100xf32, #tpu.memory_space<vmem>>, vector<1x16xf32>,
        %parallel_loop3A_813 = vector.shape_cast %parallel_loop3A_812 : vector<1x16xf32> to vector<16xf32>
        %parallel_loop3A_814 = vector.broadcast %parallel_loop3A_779 : i32 to vector<16xi32>
        %parallel_loop3A_815 = arith.subi %parallel_loop3A_814, %select_n3A_601 : vector<16xi32>
        %parallel_loop3A_816 = arith.cmpi ule, %parallel_loop3A_815, %select_n3A_604 : vector<16xi32>
        %parallel_loop3A_817 = arith.constant 0.000000e+00 : f32
        %parallel_loop3A_818 = vector.broadcast %parallel_loop3A_817 : f32 to vector<16xf32>
        %parallel_loop3A_819 = arith.select %parallel_loop3A_816, %parallel_loop3A_813, %parallel_loop3A_818 : vector<16xi1>, vector<16xf32>
        %parallel_loop3A_820 = arith.index_cast %parallel_loop3A_778 : i32 to index
        %parallel_loop3A_821 = arith.constant 32 : index
        %parallel_loop3A_822 = tpu.vector_load %arg8[%parallel_loop3A_820, %parallel_loop3A_821] {strides = array<i32>} : memref<128x100xf32, #tpu.memory_space<vmem>>, vector<1x16xf32>,
        %parallel_loop3A_823 = vector.shape_cast %parallel_loop3A_822 : vector<1x16xf32> to vector<16xf32>
        %parallel_loop3A_824 = vector.shape_cast %parallel_loop3A_819 : vector<16xf32> to vector<1x16xf32>
        tpu.vector_store %arg8[%parallel_loop3A_820, %parallel_loop3A_821], %parallel_loop3A_824 {strides = array<i32>} : memref<128x100xf32, #tpu.memory_space<vmem>>, vector<1x16xf32>,
        %parallel_loop3A_825 = arith.index_cast %parallel_loop3A_778 : i32 to index
        %parallel_loop3A_826 = arith.constant 48 : index
        %parallel_loop3A_827 = tpu.vector_load %arg6[%parallel_loop3A_825, %parallel_loop3A_826] {strides = array<i32>} : memref<128x100xf32, #tpu.memory_space<vmem>>, vector<1x16xf32>,
        %parallel_loop3A_828 = vector.shape_cast %parallel_loop3A_827 : vector<1x16xf32> to vector<16xf32>
        %parallel_loop3A_829 = vector.broadcast %parallel_loop3A_779 : i32 to vector<16xi32>
        %parallel_loop3A_830 = arith.subi %parallel_loop3A_829, %select_n3A_616 : vector<16xi32>
        %parallel_loop3A_831 = arith.cmpi ule, %parallel_loop3A_830, %select_n3A_619 : vector<16xi32>
        %parallel_loop3A_832 = arith.constant 0.000000e+00 : f32
        %parallel_loop3A_833 = vector.broadcast %parallel_loop3A_832 : f32 to vector<16xf32>
        %parallel_loop3A_834 = arith.select %parallel_loop3A_831, %parallel_loop3A_828, %parallel_loop3A_833 : vector<16xi1>, vector<16xf32>
        %parallel_loop3A_835 = arith.index_cast %parallel_loop3A_778 : i32 to index
        %parallel_loop3A_836 = arith.constant 48 : index
        %parallel_loop3A_837 = tpu.vector_load %arg8[%parallel_loop3A_835, %parallel_loop3A_836] {strides = array<i32>} : memref<128x100xf32, #tpu.memory_space<vmem>>, vector<1x16xf32>,
        %parallel_loop3A_838 = vector.shape_cast %parallel_loop3A_837 : vector<1x16xf32> to vector<16xf32>
        %parallel_loop3A_839 = vector.shape_cast %parallel_loop3A_834 : vector<16xf32> to vector<1x16xf32>
        tpu.vector_store %arg8[%parallel_loop3A_835, %parallel_loop3A_836], %parallel_loop3A_839 {strides = array<i32>} : memref<128x100xf32, #tpu.memory_space<vmem>>, vector<1x16xf32>,
        %parallel_loop3A_840 = arith.index_cast %parallel_loop3A_778 : i32 to index
        %parallel_loop3A_841 = arith.constant 64 : index
        %parallel_loop3A_842 = tpu.vector_load %arg6[%parallel_loop3A_840, %parallel_loop3A_841] {strides = array<i32>} : memref<128x100xf32, #tpu.memory_space<vmem>>, vector<1x16xf32>,
        %parallel_loop3A_843 = vector.shape_cast %parallel_loop3A_842 : vector<1x16xf32> to vector<16xf32>
        %parallel_loop3A_844 = vector.broadcast %parallel_loop3A_779 : i32 to vector<16xi32>
        %parallel_loop3A_845 = arith.subi %parallel_loop3A_844, %select_n3A_631 : vector<16xi32>
        %parallel_loop3A_846 = arith.cmpi ule, %parallel_loop3A_845, %select_n3A_634 : vector<16xi32>
        %parallel_loop3A_847 = arith.constant 0.000000e+00 : f32
        %parallel_loop3A_848 = vector.broadcast %parallel_loop3A_847 : f32 to vector<16xf32>
        %parallel_loop3A_849 = arith.select %parallel_loop3A_846, %parallel_loop3A_843, %parallel_loop3A_848 : vector<16xi1>, vector<16xf32>
        %parallel_loop3A_850 = arith.index_cast %parallel_loop3A_778 : i32 to index
        %parallel_loop3A_851 = arith.constant 64 : index
        %parallel_loop3A_852 = tpu.vector_load %arg8[%parallel_loop3A_850, %parallel_loop3A_851] {strides = array<i32>} : memref<128x100xf32, #tpu.memory_space<vmem>>, vector<1x16xf32>,
        %parallel_loop3A_853 = vector.shape_cast %parallel_loop3A_852 : vector<1x16xf32> to vector<16xf32>
        %parallel_loop3A_854 = vector.shape_cast %parallel_loop3A_849 : vector<16xf32> to vector<1x16xf32>
        tpu.vector_store %arg8[%parallel_loop3A_850, %parallel_loop3A_851], %parallel_loop3A_854 {strides = array<i32>} : memref<128x100xf32, #tpu.memory_space<vmem>>, vector<1x16xf32>,
        %parallel_loop3A_855 = arith.index_cast %parallel_loop3A_778 : i32 to index
        %parallel_loop3A_856 = arith.constant 80 : index
        %parallel_loop3A_857 = tpu.vector_load %arg6[%parallel_loop3A_855, %parallel_loop3A_856] {strides = array<i32>} : memref<128x100xf32, #tpu.memory_space<vmem>>, vector<1x16xf32>,
        %parallel_loop3A_858 = vector.shape_cast %parallel_loop3A_857 : vector<1x16xf32> to vector<16xf32>
        %parallel_loop3A_859 = vector.broadcast %parallel_loop3A_779 : i32 to vector<16xi32>
        %parallel_loop3A_860 = arith.subi %parallel_loop3A_859, %select_n3A_646 : vector<16xi32>
        %parallel_loop3A_861 = arith.cmpi ule, %parallel_loop3A_860, %select_n3A_649 : vector<16xi32>
        %parallel_loop3A_862 = arith.constant 0.000000e+00 : f32
        %parallel_loop3A_863 = vector.broadcast %parallel_loop3A_862 : f32 to vector<16xf32>
        %parallel_loop3A_864 = arith.select %parallel_loop3A_861, %parallel_loop3A_858, %parallel_loop3A_863 : vector<16xi1>, vector<16xf32>
        %parallel_loop3A_865 = arith.index_cast %parallel_loop3A_778 : i32 to index
        %parallel_loop3A_866 = arith.constant 80 : index
        %parallel_loop3A_867 = tpu.vector_load %arg8[%parallel_loop3A_865, %parallel_loop3A_866] {strides = array<i32>} : memref<128x100xf32, #tpu.memory_space<vmem>>, vector<1x16xf32>,
        %parallel_loop3A_868 = vector.shape_cast %parallel_loop3A_867 : vector<1x16xf32> to vector<16xf32>
        %parallel_loop3A_869 = vector.shape_cast %parallel_loop3A_864 : vector<16xf32> to vector<1x16xf32>
        tpu.vector_store %arg8[%parallel_loop3A_865, %parallel_loop3A_866], %parallel_loop3A_869 {strides = array<i32>} : memref<128x100xf32, #tpu.memory_space<vmem>>, vector<1x16xf32>,
        %parallel_loop3A_870 = arith.index_cast %parallel_loop3A_778 : i32 to index
        %parallel_loop3A_871 = arith.constant 84 : index
        %parallel_loop3A_872 = tpu.vector_load %arg6[%parallel_loop3A_870, %parallel_loop3A_871] {strides = array<i32>} : memref<128x100xf32, #tpu.memory_space<vmem>>, vector<1x16xf32>,
        %parallel_loop3A_873 = vector.shape_cast %parallel_loop3A_872 : vector<1x16xf32> to vector<16xf32>
        %parallel_loop3A_874 = vector.broadcast %parallel_loop3A_779 : i32 to vector<16xi32>
        %parallel_loop3A_875 = arith.subi %parallel_loop3A_874, %select_n3A_661 : vector<16xi32>
        %parallel_loop3A_876 = arith.cmpi ule, %parallel_loop3A_875, %select_n3A_664 : vector<16xi32>
        %parallel_loop3A_877 = arith.constant 0.000000e+00 : f32
        %parallel_loop3A_878 = vector.broadcast %parallel_loop3A_877 : f32 to vector<16xf32>
        %parallel_loop3A_879 = arith.select %parallel_loop3A_876, %parallel_loop3A_873, %parallel_loop3A_878 : vector<16xi1>, vector<16xf32>
        %parallel_loop3A_880 = arith.index_cast %parallel_loop3A_778 : i32 to index
        %parallel_loop3A_881 = arith.constant 84 : index
        %parallel_loop3A_882 = tpu.vector_load %arg8[%parallel_loop3A_880, %parallel_loop3A_881] {strides = array<i32>} : memref<128x100xf32, #tpu.memory_space<vmem>>, vector<1x16xf32>,
        %parallel_loop3A_883 = vector.shape_cast %parallel_loop3A_882 : vector<1x16xf32> to vector<16xf32>
        %parallel_loop3A_884 = vector.shape_cast %parallel_loop3A_879 : vector<16xf32> to vector<1x16xf32>
        tpu.vector_store %arg8[%parallel_loop3A_880, %parallel_loop3A_881], %parallel_loop3A_884 {strides = array<i32>} : memref<128x100xf32, #tpu.memory_space<vmem>>, vector<1x16xf32>,
      } {sc.loop_unroll_factor = 8 : i64, sc.parallel_access}
      %jit3A_722 = arith.constant 4 : i32
      %div3A_723 = arith.divsi %add3A_515, %jit3A_722 : i32
      %sign3A_724 = arith.constant 0 : i32
      %sign3A_725 = arith.cmpi sgt, %add3A_515, %sign3A_724 : i32
      %sign3A_726 = arith.extui %sign3A_725 : i1 to i32
      %sign3A_727 = arith.constant 0 : i32
      %sign3A_728 = arith.cmpi slt, %add3A_515, %sign3A_727 : i32
      %sign3A_729 = arith.extui %sign3A_728 : i1 to i32
      %sign3A_730 = arith.subi %sign3A_726, %sign3A_729 : i32
      %sign3A_731 = arith.constant 0 : i32
      %sign3A_732 = arith.cmpi sgt, %jit3A_722, %sign3A_731 : i32
      %sign3A_733 = arith.extui %sign3A_732 : i1 to i32
      %sign3A_734 = arith.constant 0 : i32
      %sign3A_735 = arith.cmpi slt, %jit3A_722, %sign3A_734 : i32
      %sign3A_736 = arith.extui %sign3A_735 : i1 to i32
      %sign3A_737 = arith.subi %sign3A_733, %sign3A_736 : i32
      %ne3A_738 = arith.cmpi ne, %sign3A_730, %sign3A_737 : i32
      %rem3A_739 = arith.remsi %add3A_515, %jit3A_722 : i32
      %ne3A_740 = arith.constant 0 : i32
      %ne3A_741 = arith.cmpi ne, %rem3A_739, %ne3A_740 : i32
      %and3A_742 = arith.andi %ne3A_738, %ne3A_741 : i1
      %sub3A_743 = arith.constant 1 : i32
      %sub3A_744 = arith.subi %div3A_723, %sub3A_743 : i32
      %select_n3A_745 = arith.select %and3A_742, %sub3A_744, %div3A_723 : i32
      %add3A_746 = arith.addi %mul3A_2, %select_n3A_745 : i32
      %jit3A_747 = arith.constant 4 : i32
      %eq3A_748 = arith.constant 0 : i32
      %eq3A_749 = arith.cmpi eq, %jit3A_747, %eq3A_748 : i32
      %jit3A_750 = arith.constant 1 : i32
      %select_n3A_751 = arith.select %eq3A_749, %jit3A_750, %jit3A_747 : i32
      %rem3A_752 = arith.remsi %add3A_515, %select_n3A_751 : i32
      %ne3A_753 = arith.constant 0 : i32
      %ne3A_754 = arith.cmpi ne, %rem3A_752, %ne3A_753 : i32
      %lt3A_755 = arith.constant 0 : i32
      %lt3A_756 = arith.cmpi slt, %rem3A_752, %lt3A_755 : i32
      %lt3A_757 = arith.constant 0 : i32
      %lt3A_758 = arith.cmpi slt, %select_n3A_751, %lt3A_757 : i32
      %ne3A_759 = arith.xori %lt3A_756, %lt3A_758 : i1
      %and3A_760 = arith.andi %ne3A_759, %ne3A_754 : i1
      %add3A_761 = arith.addi %rem3A_752, %select_n3A_751 : i32
      %select_n3A_762 = arith.select %and3A_760, %add3A_761, %rem3A_752 : i32
      %mul3A_763 = arith.constant 128 : i32
      %mul3A_764 = arith.muli %select_n3A_762, %mul3A_763 : i32
      %dma_start3A_765 = arith.constant 0 : i32
      %dma_start3A_766 = tpu.memref_slice %arg4[%add3A_746, %mul3A_764, %dma_start3A_765] : memref<512x512x100xf32, #tpu.memory_space<hbm>> -> memref<1x128x100xf32, #tpu.memory_space<hbm>>
      %dma_start3A_767 = tpu.memref_squeeze %dma_start3A_766 : memref<1x128x100xf32, #tpu.memory_space<hbm>> -> memref<128x100xf32, #tpu.memory_space<hbm>>
      %dma_start3A_768 = arith.constant 0 : i32
      %dma_start3A_769 = tpu.memref_slice %arg4[%add3A_746, %mul3A_764, %dma_start3A_768] : memref<512x512x100xf32, #tpu.memory_space<hbm>> -> memref<1x128x100xf32, #tpu.memory_space<hbm>>
      %dma_start3A_770 = tpu.memref_squeeze %dma_start3A_769 : memref<1x128x100xf32, #tpu.memory_space<hbm>> -> memref<128x100xf32, #tpu.memory_space<hbm>>
      tpu.enqueue_dma source(%arg8 : memref<128x100xf32, #tpu.memory_space<vmem>>) target(%dma_start3A_770 : memref<128x100xf32, #tpu.memory_space<hbm>>) target_semaphore(%arg13 : memref<!tpu.dma_semaphore, #tpu.memory_space<semaphore_mem>>)
      %add3A_771 = arith.constant 2 : i32
      %add3A_772 = arith.addi %add3A_515, %add3A_771 : i32
      %lt3A_773 = arith.constant 64 : i32
      %lt3A_774 = arith.cmpi slt, %add3A_772, %lt3A_773 : i32
      %convert_element_type3A_775 = arith.extui %lt3A_774 : i1 to i32
      %cond3A_776 = arith.constant 0 : i32
      %cond3A_777 = arith.cmpi ne, %convert_element_type3A_775, %cond3A_776 : i32
      scf.if %cond3A_777 {
        %add3A_778 = arith.constant 2 : i32
        %add3A_779 = arith.addi %add3A_515, %add3A_778 : i32
        %jit3A_780 = arith.constant 4 : i32
        %div3A_781 = arith.divsi %add3A_779, %jit3A_780 : i32
        %sign3A_782 = arith.constant 0 : i32
        %sign3A_783 = arith.cmpi sgt, %add3A_779, %sign3A_782 : i32
        %sign3A_784 = arith.extui %sign3A_783 : i1 to i32
        %sign3A_785 = arith.constant 0 : i32
        %sign3A_786 = arith.cmpi slt, %add3A_779, %sign3A_785 : i32
        %sign3A_787 = arith.extui %sign3A_786 : i1 to i32
        %sign3A_788 = arith.subi %sign3A_784, %sign3A_787 : i32
        %sign3A_789 = arith.constant 0 : i32
        %sign3A_790 = arith.cmpi sgt, %jit3A_780, %sign3A_789 : i32
        %sign3A_791 = arith.extui %sign3A_790 : i1 to i32
        %sign3A_792 = arith.constant 0 : i32
        %sign3A_793 = arith.cmpi slt, %jit3A_780, %sign3A_792 : i32
        %sign3A_794 = arith.extui %sign3A_793 : i1 to i32
        %sign3A_795 = arith.subi %sign3A_791, %sign3A_794 : i32
        %ne3A_796 = arith.cmpi ne, %sign3A_788, %sign3A_795 : i32
        %rem3A_797 = arith.remsi %add3A_779, %jit3A_780 : i32
        %ne3A_798 = arith.constant 0 : i32
        %ne3A_799 = arith.cmpi ne, %rem3A_797, %ne3A_798 : i32
        %and3A_800 = arith.andi %ne3A_796, %ne3A_799 : i1
        %sub3A_801 = arith.constant 1 : i32
        %sub3A_802 = arith.subi %div3A_781, %sub3A_801 : i32
        %select_n3A_803 = arith.select %and3A_800, %sub3A_802, %div3A_781 : i32
        %add3A_804 = arith.addi %mul3A_2, %select_n3A_803 : i32
        %jit3A_805 = arith.constant 4 : i32
        %eq3A_806 = arith.constant 0 : i32
        %eq3A_807 = arith.cmpi eq, %jit3A_805, %eq3A_806 : i32
        %jit3A_808 = arith.constant 1 : i32
        %select_n3A_809 = arith.select %eq3A_807, %jit3A_808, %jit3A_805 : i32
        %rem3A_810 = arith.remsi %add3A_779, %select_n3A_809 : i32
        %ne3A_811 = arith.constant 0 : i32
        %ne3A_812 = arith.cmpi ne, %rem3A_810, %ne3A_811 : i32
        %lt3A_813 = arith.constant 0 : i32
        %lt3A_814 = arith.cmpi slt, %rem3A_810, %lt3A_813 : i32
        %lt3A_815 = arith.constant 0 : i32
        %lt3A_816 = arith.cmpi slt, %select_n3A_809, %lt3A_815 : i32
        %ne3A_817 = arith.xori %lt3A_814, %lt3A_816 : i1
        %and3A_818 = arith.andi %ne3A_817, %ne3A_812 : i1
        %add3A_819 = arith.addi %rem3A_810, %select_n3A_809 : i32
        %select_n3A_820 = arith.select %and3A_818, %add3A_819, %rem3A_810 : i32
        %mul3A_821 = arith.constant 128 : i32
        %mul3A_822 = arith.muli %select_n3A_820, %mul3A_821 : i32
        %dma_start3A_823 = arith.constant 0 : i32
        %dma_start3A_824 = tpu.memref_slice %arg2[%add3A_804, %mul3A_822, %dma_start3A_823] : memref<512x512x100xf32, #tpu.memory_space<hbm>> -> memref<1x128x100xf32, #tpu.memory_space<hbm>>
        %dma_start3A_825 = tpu.memref_squeeze %dma_start3A_824 : memref<1x128x100xf32, #tpu.memory_space<hbm>> -> memref<128x100xf32, #tpu.memory_space<hbm>>
        %dma_start3A_826 = arith.constant 0 : i32
        %dma_start3A_827 = tpu.memref_slice %arg2[%add3A_804, %mul3A_822, %dma_start3A_826] : memref<512x512x100xf32, #tpu.memory_space<hbm>> -> memref<1x128x100xf32, #tpu.memory_space<hbm>>
        %dma_start3A_828 = tpu.memref_squeeze %dma_start3A_827 : memref<1x128x100xf32, #tpu.memory_space<hbm>> -> memref<128x100xf32, #tpu.memory_space<hbm>>
        tpu.enqueue_dma source(%dma_start3A_828 : memref<128x100xf32, #tpu.memory_space<hbm>>) target(%arg6 : memref<128x100xf32, #tpu.memory_space<vmem>>) target_semaphore(%arg11 : memref<!tpu.dma_semaphore, #tpu.memory_space<semaphore_mem>>)
      } else {
      }
    }
    %scan3A_236 = arith.constant 32 : i32
    %add3A_237 = arith.constant 15 : i32
    %add3A_238 = arith.addi %mul3A_2, %add3A_237 : i32
    %dma_wait3A = arith.constant 256 : i32
    %dma_wait3A_239 = arith.constant 0 : i32
    %dma_wait3A_240 = tpu.memref_slice %arg4[%add3A_238, %dma_wait3A, %dma_wait3A_239] : memref<512x512x100xf32, #tpu.memory_space<hbm>> -> memref<1x128x100xf32, #tpu.memory_space<hbm>>
    %dma_wait3A_241 = tpu.memref_squeeze %dma_wait3A_240 : memref<1x128x100xf32, #tpu.memory_space<hbm>> -> memref<128x100xf32, #tpu.memory_space<hbm>>
    %dma_wait3A_242 = arith.constant 256 : i32
    %dma_wait3A_243 = arith.constant 0 : i32
    %dma_wait3A_244 = tpu.memref_slice %arg4[%add3A_238, %dma_wait3A_242, %dma_wait3A_243] : memref<512x512x100xf32, #tpu.memory_space<hbm>> -> memref<1x128x100xf32, #tpu.memory_space<hbm>>
    %dma_wait3A_245 = tpu.memref_squeeze %dma_wait3A_244 : memref<1x128x100xf32, #tpu.memory_space<hbm>> -> memref<128x100xf32, #tpu.memory_space<hbm>>
    tpu.wait_dma2 semaphore(%arg12 : memref<!tpu.dma_semaphore, #tpu.memory_space<semaphore_mem>>) src(%arg7 : memref<128x100xf32, #tpu.memory_space<vmem>>) dst(%dma_wait3A_245 : memref<128x100xf32, #tpu.memory_space<hbm>>)
    %add3A_246 = arith.constant 15 : i32
    %add3A_247 = arith.addi %mul3A_2, %add3A_246 : i32
    %dma_wait3A_248 = arith.constant 384 : i32
    %dma_wait3A_249 = arith.constant 0 : i32
    %dma_wait3A_250 = tpu.memref_slice %arg4[%add3A_247, %dma_wait3A_248, %dma_wait3A_249] : memref<512x512x100xf32, #tpu.memory_space<hbm>> -> memref<1x128x100xf32, #tpu.memory_space<hbm>>
    %dma_wait3A_251 = tpu.memref_squeeze %dma_wait3A_250 : memref<1x128x100xf32, #tpu.memory_space<hbm>> -> memref<128x100xf32, #tpu.memory_space<hbm>>
    %dma_wait3A_252 = arith.constant 384 : i32
    %dma_wait3A_253 = arith.constant 0 : i32
    %dma_wait3A_254 = tpu.memref_slice %arg4[%add3A_247, %dma_wait3A_252, %dma_wait3A_253] : memref<512x512x100xf32, #tpu.memory_space<hbm>> -> memref<1x128x100xf32, #tpu.memory_space<hbm>>
    %dma_wait3A_255 = tpu.memref_squeeze %dma_wait3A_254 : memref<1x128x100xf32, #tpu.memory_space<hbm>> -> memref<128x100xf32, #tpu.memory_space<hbm>>
    tpu.wait_dma2 semaphore(%arg13 : memref<!tpu.dma_semaphore, #tpu.memory_space<semaphore_mem>>) src(%arg8 : memref<128x100xf32, #tpu.memory_space<vmem>>) dst(%dma_wait3A_255 : memref<128x100xf32, #tpu.memory_space<hbm>>)
    return
  }
}

</mosaic_0001>

<sc_bundles>
// kernel: kernel.3.cloned.1.call-start
scs
__scs_entry_jumppad:
0x0: {  	(pc) =	sbr.rel $0x88, $3  }
0x1: {  	(tag) =	ssettag $0x0;
	lr =	simm.s32 $0x1  }
0x2: {  	[smem:$0x3F9F] =	sst lr;
	_ =	strace $0xD0000000  }
0x3: {  	_ = 	snop  }
0x4: {  	_ = 	snop  }
0x5: {  	_ = 	snop  }
0x6: {  	_ = 	snop  }
0x7: {  	_ = 	snop  }
__scs_overlays_trampoline_lowered:
0x8: {  	[smem:$0x3FAE] =	sst s0  }
0x9: {  	[smem:$0x3FAF] =	sst s1  }
0xa: {  	[smem:$0x3FB0] =	sst s2  }
0xb: {  	[smem:$0x3FB1] =	sst s3  }
0xc: {  	[smem:$0x3FB2] =	sst s4  }
0xd: {  	[smem:$0x3FB3] =	sst s5  }
0xe: {  	[smem:$0x3FB4] =	sst s6  }
0xf: {  	[smem:$0x3FB5] =	sst s7  }
0x10: {  	[smem:$0x3FB6] =	sst s8  }
0x11: {  	[smem:$0x3FB7] =	sst s9;
	s0 =	simm.s32 @!p0 $0x0  }
0x12: {  	s1 =	sld [smem:$0x3F9D];
	s0 =	simm.s32 @p0 $0x1  }
0x13: {  	[smem:$0x3FB8] =	sst s0;
	s0 =	simm.s32 @!p1 $0x0  }
0x14: {  	s2 =	sld [smem:$0x3F9C];
	s0 =	simm.s32 @p1 $0x1  }
0x15: {  	[smem:$0x3FB9] =	sst s0;
	s0 =	simm.s32 @!p2 $0x0  }
0x16: {  	s3 =	sld [smem:$0x3FDB];
	s0 =	simm.s32 @p2 $0x1  }
0x17: {  	s4 =	simm.s32 $0x1BF5;
	[smem:$0x3FBB] =	sst s0  }
0x18: {  	s0 =	sld [smem:$0x3F9E];
	_ =	swait.ge [sflag:s4], $0x0  }
0x19: {  	s7 =	sld [smem:$0x3F9F]  }
0x1a: {  	s8 =	sadd.s32 $0xFFFFE003, lr  }
0x1b: {  	s9 =	sadd.s32 $0xFFFFFEF7, lr;
	s5 =	simm.s32 $0xFFFFFFFF;
	p2 =	slt.u32 s8, $0xFFFFF086  }
0x1c: {  	p1 =	slt.u32 s9, $0xF7A;
	s5 =	simm.s32 @!p2 $0x0  }
0x1d: {  	s5 =	simm.s32 @p1 $0x1;
	p0 =	seq.s32 s7, s2  }
0x1e: {  	s7 =	smul.u32 @!p0 $0xF7A, s2;
	p2 =	seq.s32 @!p0 s5, $0x0  }
0x1f: {  	s9 =	smul.u32 $0xF7A, s1;
	s8 =	simm.s32 @!p0 $0x1BF5;
	p2 =	por !p2, p0  }
0x20: {  	[sflag:s8] =	ssyncset.s32 @!p0 $0xFFFFF086;
	s6 =	sadd.s32 @!p0 s3, s7;
	s7 =	simm.s32 @!p0 $0x108  }
0x21: {  	s3 =	sadd.s32 s3, s9;
	s6 =	sadd.s32 @!p0 $0x88, s6;
	s7 =	simm.s32 @p2 $0x1082  }
0x22: {  	[simem:s7], [sflag:s8] =	dma.local @!p0 [hbm:s6], $0xF7A  }
0x23: {  	s9 =	sor.u32 $0xD0000000, s2;
	s6 =	simm.s32 $0x108;
	_ =	swait.ge @!p0 [sflag:s8], $0x0  }
0x24: {  	s3 =	sadd.s32 $0x88, s3;
	s6 =	simm.s32 @!p1 $0x1082;
	[sflag:s4] =	ssyncset.s32 $0xFFFFF086  }
0x25: {  	[simem:s6], [sflag:s4] =	dma.local [hbm:s3], $0xF7A  }
0x26: {  	[smem:$0x3F9F] =	sst s1;
	(tag) =	ssettag s2;
	_ =	strace s9  }
0x27: {  	s1 =	sld [smem:$0x3FAF]  }
0x28: {  	s2 =	sld [smem:$0x3FB0]  }
0x29: {  	s4 =	sld [smem:$0x3FB2]  }
0x2a: {  	p0 =	seq.s32 s5, $0x0;
	s5 =	sld [smem:$0x3FB3]  }
0x2b: {  	s6 =	sld [smem:$0x3FB4]  }
0x2c: {  	s7 =	sld [smem:$0x3FB5]  }
0x2d: {  	s3 =	simm.s32 $0x108;
	s8 =	sld [smem:$0x3FB6]  }
0x2e: {  	s3 =	simm.s32 @!p0 $0x1082;
	s9 =	sld [smem:$0x3FB7]  }
0x2f: {  	lr =	sadd.s32 s0, s3;
	s0 =	sld [smem:$0x3FAE]  }
0x30: {  	s3 =	sld [smem:$0x3FB1]  }
0x31: {  	[smem:$0x3FBA] =	sst s10  }
0x32: {  	s10 =	sld [smem:$0x3FB8];
	_ =	sdelay $0x3  }
0x33: {  	p0 =	seq.s32 s10, $0x1;
	s10 =	sld [smem:$0x3FBA];
	_ =	sdelay $0x3  }
0x34: {  	[smem:$0x3FBA] =	sst s10  }
0x35: {  	s10 =	sld [smem:$0x3FB9];
	_ =	sdelay $0x3  }
0x36: {  	p1 =	seq.s32 s10, $0x1;
	s10 =	sld [smem:$0x3FBA];
	_ =	sdelay $0x3  }
0x37: {  	[smem:$0x3FBA] =	sst s10  }
0x38: {  	s10 =	sld [smem:$0x3FBB]  }
0x39: {  	_ = 	snop;
	(pc) =	sbr.ind lr, $3  }
0x3a: {  	_ = 	snop  }
0x3b: {  	_ = 	snop  }
0x3c: {  	p2 =	seq.s32 s10, $0x1;
	s10 =	sld [smem:$0x3FBA]  }
0x3d: {  	_ =	shalt  }
0x3e: {  	_ =	shalt  }
0x3f: {  	_ =	shalt  }
0x40: {  	_ =	shalt  }
0x41: {  	_ =	shalt  }
0x42: {  	_ =	shalt  }
0x43: {  	_ =	shalt  }
0x44: {  	_ =	shalt  }
0x45: {  	_ =	shalt  }
0x46: {  	_ =	shalt  }
0x47: {  	_ =	shalt  }
0x48: {  	_ =	shalt  }
0x49: {  	_ =	shalt  }
0x4a: {  	_ =	shalt  }
0x4b: {  	_ =	shalt  }
0x4c: {  	_ =	shalt  }
0x4d: {  	_ =	shalt  }
0x4e: {  	_ =	shalt  }
0x4f: {  	_ =	shalt  }
0x50: {  	_ =	shalt  }
0x51: {  	_ =	shalt  }
0x52: {  	_ =	shalt  }
0x53: {  	_ =	shalt  }
0x54: {  	_ =	shalt  }
0x55: {  	_ =	shalt  }
0x56: {  	_ =	shalt  }
0x57: {  	_ =	shalt  }
0x58: {  	_ =	shalt  }
0x59: {  	_ =	shalt  }
0x5a: {  	_ =	shalt  }
0x5b: {  	_ =	shalt  }
0x5c: {  	_ =	shalt  }
0x5d: {  	_ =	shalt  }
0x5e: {  	_ =	shalt  }
0x5f: {  	_ =	shalt  }
0x60: {  	_ =	shalt  }
0x61: {  	_ =	shalt  }
0x62: {  	_ =	shalt  }
0x63: {  	_ =	shalt  }
0x64: {  	_ =	shalt  }
0x65: {  	_ =	shalt  }
0x66: {  	_ =	shalt  }
0x67: {  	_ =	shalt  }
0x68: {  	_ =	shalt  }
0x69: {  	_ =	shalt  }
0x6a: {  	_ =	shalt  }
0x6b: {  	_ =	shalt  }
0x6c: {  	_ =	shalt  }
0x6d: {  	_ =	shalt  }
0x6e: {  	_ =	shalt  }
0x6f: {  	_ =	shalt  }
0x70: {  	_ =	shalt  }
0x71: {  	_ =	shalt  }
0x72: {  	_ =	shalt  }
0x73: {  	_ =	shalt  }
0x74: {  	_ =	shalt  }
0x75: {  	_ =	shalt  }
0x76: {  	_ =	shalt  }
0x77: {  	_ =	shalt  }
0x78: {  	_ =	shalt  }
0x79: {  	_ =	shalt  }
0x7a: {  	_ =	shalt  }
0x7b: {  	_ =	shalt  }
0x7c: {  	_ =	shalt  }
0x7d: {  	_ =	shalt  }
0x7e: {  	_ =	shalt  }
0x7f: {  	_ =	shalt  }
0x80: {  	_ =	shalt  }
0x81: {  	_ =	shalt  }
0x82: {  	_ =	shalt  }
0x83: {  	_ =	shalt  }
0x84: {  	_ =	shalt  }
0x85: {  	_ =	shalt  }
0x86: {  	_ =	shalt  }
0x87: {  	_ =	shalt  }
.Lfunc_end0:
.L_simem_size_0:
called_computation_lowered:
.L_overlay_start_0:
0x88: {  	s2 =	sld [smem:$0x3FD9]  }
0x89: {  	s3 =	sld [smem:$0x3FFE];
	_ =	sdelay $0x1  }
0x8a: {  	s1 =	srdreg.scid  }
0x8b: {  	s0 =	sand.u32 $0x1, s1  }
0x8c: {  	s17 =	sshll.u32 s0, $0xA;
	s2 =	sadd.s32 s3, s2  }
0x8d: {  	s2 =	sadd.s32 s2, s17  }
0x8e: {  	[smem:$0x3FC6] =	sst s2  }
0x8f: {  	_ = 	snop  }
0x90: {  	s2 =	sld [smem:$0x3FC8];
	(tm) =	ssettm $0x1  }
0x91: {  	s18 =	sld [smem:$0x3FFB];
	_ =	sdelay $0x3  }
0x92: {  	_ =	strace s18  }
0x93: {  	s3 =	sld [smem:$0x3FFC];
	_ =	sdelay $0x3  }
0x94: {  	_ =	strace s3  }
0x95: {  	s3 =	sld [smem:$0x3FFD];
	_ =	sdelay $0x3  }
0x96: {  	_ =	strace s3  }
0x97: {  	_ =	strace $0x8FFFFFFF  }
0x98: {  	s19 =	sld [smem:$0x3FDB];
	_ =	sdelay $0x1  }
0x99: {  	s4 =	simm.s32 $_scs_section_size  }
0x9a: {  	s5 =	simm.s32 $_size__tile_overlayer_lowered;
	s6 =	simm.s32 $_tile_overlayer_lowered  }
0x9b: {  	s22 =	simm.s32 $0x1BFF;
	s21 =	sshll.u32 s6, $0x1;
	s3 =	sadd.s32 s4, s19  }
0x9c: {  	s7 =	simm.s32 $0x0;
	s20 =	sshll.u32 s5, $0x1;
	s5 =	sadd.s32 s21, s3  }
0x9d: {  	[timem:s7], [sflag:s22] =	dma.local [hbm:s5], s20  }
0x9e: {  	_ =	swait.ge [sflag:s22], s20  }
0x9f: {  	s4 =	ssub.s32 $0x0, s20;
	[sflag:s22] =	ssyncset.done $0x0  }
0xa0: {  	[sflag:s22] =	ssyncadd.s32 s4;
	_ =	sdelay $0x1  }
0xa1: {  	s23 =	simm.s32 $0x1B8B  }
0xa2: {  	_ =	swait.ge [sflag:s23], $0x1  }
0xa3: {  	[sflag:s23] =	ssyncset.done $0x0  }
0xa4: {  	s25 =	simm.s32 $0x1B8E;
	s24 =	sld [smem:$0x3FFE];
	[sflag:s23] =	ssyncadd.s32 $0xFFFFFFFF  }
0xa5: {  	s26 =	simm.s32 $execute0_lowered;
	[smem:$0x3FD2] =	sst s25  }
0xa6: {  	s5 =	sshll.u32 s26, $0x1;
	_ =	strace $0x80000046;
	[dreg:$0x1] =	wrdreg $0xFFFFFFFF  }
0xa7: {  	s28 =	simm.s32 $_size_execute0_lowered;
	s3 =	sadd.s32 s3, s5;
	[dreg:$0x0] =	wrdreg $0x0  }
0xa8: {  	s5 =	sshll.u32 s28, $0x1;
	[dreg:$0x2] =	wrdreg s3  }
0xa9: {  	[dreg:$0x3] =	wrdreg s5  }
0xaa: {  	[dreg:$0x4] =	wrdreg $0xC0  }
0xab: {  	_ =	task [dreg:s7], $0x5FFFF  }
0xac: {  	[dreg:$0x1] =	wrdreg $0xFFFFFFFF  }
0xad: {  	[dreg:$0x0] =	wrdreg $0x60  }
0xae: {  	[dreg:$0x2] =	wrdreg s24  }
0xaf: {  	[dreg:$0x3] =	wrdreg s2  }
0xb0: {  	[dreg:$0x4] =	wrdreg $0x9  }
0xb1: {  	_ =	task.clear_ibuf [dreg:s7], $0x5FFFF;
	_ =	strace $0x90000046  }
0xb2: {  	s29 =	simm.s32 $0x9;
	_ =	strace $0x80000048  }
0xb3: {  	_ =	swait.ge [sflag:s29], $0x1  }
0xb4: {  	[sflag:s29] =	ssyncadd.s32 $0xFFFFFFFF  }
0xb5: {  	_ =	strace $0x90000048  }
0xb6: {  	_ =	sfence  }
0xb7: {  	s30 =	sld [smem:$0x0];
	_ =	sdelay $0x2  }
0xb8: {  	s31 =	sshll.u32 s1, $0xD;
	s1 =	sshrl.u32 s1, $0x2  }
0xb9: {  	s3 =	sand.u32 $0x4000, s31;
	s1 =	sadd.s32 s1, s30  }
0xba: {  	s0 =	sor.u32 s3, s0;
	s1 =	sshll.u32 s1, $0x11  }
0xbb: {  	s0 =	sor.u32 s1, s0  }
0xbc: {  	s0 =	sadd.s32 $0x8F2B, s0  }
0xbd: {  	[sflag:s0] =	ssyncadd.remote.s32 $0x1  }
0xbe: {  	_ =	sfence.sel $0xFFFF  }
0xbf: {  	[dreg:$0x0] =	wrdreg $0xFFFFFFFF;
	(pc) =	sbr.abs _section_cstart, $3  }
0xc0: {  	[dreg:$0x1] =	wrdreg $0xFFFFFFFF  }
0xc1: {  	_ =	task.clear_ibuf [dreg:s7], $0x2FFFF;
	_ =	strace $0x9FFFFFFF  }
0xc2: {  	(tm) =	ssettm $0x7FFFFFFF  }
0xc3: {  	_ =	shalt  }
tec
execute0_lowered:
.L_overlay_start_1:
0x0: {  	(tag) =	ssettag $0x1  }
0x1: {  	s0 =	rddreg [dreg:$0x0]  }
0x2: {  	s1 =	srdreg.scid;
	s3 =	simm.s32 $0x0;
	s2 =	stileid.u32  }
0x3: {  	s12 =	simm.s32 $0x4000;
	s13 =	simm.s32 $0x1;
	s14 =	simm.s32 $0x8000  }
0x4: {  	s15 =	simm.s32 $0x2;
	s16 =	simm.s32 $0xC000;
	s1 =	sand.u32 $0x1, s1  }
0x5: {  	[smem:$0x7FF] =	sst s3;
	s2 =	sshll.u32 s2, $0x5;
	s4 =	sshll.u32 s1, $0x4  }
0x6: {  	s5 =	sadd.s32 $0x400, s0;
	s1 =	ssub.s32 $0x2, s1;
	s4 =	sor.u32 s4, s2  }
.Ltmp0:
0x7: {  	s29 =	sshrl.u32 s1, $0x1;
	s7 =	sshll.u32 s4, $0xD;
	(pc) =	sbr.rel .LBB2_1-.Ltmp0, $4  }
0x8: {  	s6 =	sadd.s32 $0x400400, s0;
	s30 =	ssub.s32 s1, s29;
	s31 =	sadd.s32 s5, s7  }
0x9: {  	_ =	strace $0x80000047;
	s0 =	smax.u32 s30, $0x1;
	[dreg:$0x3] =	wrdreg s31  }
0xa: {  	s17 =	simm.s32 $0x3;
	s1 =	sadd.s32 $0x800, s31;
	[dreg:$0x5] =	wrdreg s0  }
0xb: {  	v0 =	vimm.s32 $0x0;
	s18 =	simm.s32 $0x4;
	s19 =	simm.s32 $0x0;
	[dreg:$0x4] =	wrdreg s1  }
.LBB2_8:
0xc: {  	_ =	swait.ge [sflag:s17], $0x4000  }
0xd: {  	[sflag:s17] =	ssyncset.done $0x0  }
0xe: {  	[sflag:s17] =	ssyncadd.s32 $0xFFFFC000  }
0xf: {  	_ =	swait.ge [sflag:s18], $0x4000  }
0x10: {  	s19 =	sadd.s32 $0x1, s19;
	s0 =	rddreg [dreg:$0x5]  }
0x11: {  	p0 =	sne.s32 s19, s0  }
.Ltmp1:
0x12: {  	_ = 	snop;
	(pc) =	sbr.rel @!p0 .LBB2_9-.Ltmp1, $3  }
0x13: {  	_ =	sdelay $0x1  }
0x14: {  	[sflag:s18] =	ssyncset.done $0x0  }
0x15: {  	[sflag:s18] =	ssyncadd.s32 $0xFFFFC000  }
.LBB2_1:
0x16: {  	s0 =	rddreg [dreg:$0x1];
	s1 =	simm.s32 $0x10000;
	s29 =	simm.s32 $0x5  }
0x17: {  	[tilespmem:s1], [sflag:$0x5] =	stream.linear.gather [hbm4b:s0+s3], $0x200, $0x38;
	[tilespmem:$0x10200] =	vst v63  }
0x18: {  	_ =	swait.ge [sflag:s29], $0x200  }
0x19: {  	[sflag:s29] =	ssyncset.done $0x0  }
0x1a: {  	[sflag:s29] =	ssyncadd.s32 $0xFFFFFE00  }
0x1b: {  	v7 =	vld [tilespmem:$0x10000]  }
0x1c: {  	v8 =	vld [tilespmem:$0x10100]  }
0x1d: {  	v9 =	vld [tilespmem:$0x10010]  }
0x1e: {  	v1 =	vld [tilespmem:$0x10080]  }
0x1f: {  	v12 =	vld [tilespmem:$0x10110]  }
0x20: {  	v13 =	vld [tilespmem:$0x10020];
	v10 =	vtrunc.f32 v7  }
0x21: {  	v14 =	vld [tilespmem:$0x10120];
	v11 =	vcvt.f32.s32 v10;
	vm0 =	vgt.f32 v7, v10  }
0x22: {  	v15 =	vld [tilespmem:$0x10030];
	v16 =	vtrunc.f32 v9;
	v7 =	vtrunc.f32 v8;
	v8 =	vsel vm0, $0x1, v0  }
0x23: {  	v2 =	vld [tilespmem:$0x10180];
	vm0 =	vgt.f32 v9, v16;
	v8 =	vadd.s32 v11, v8;
	v11 =	vcvt.f32.s32 v16  }
0x24: {  	v12 =	vtrunc.f32 v12;
	v16 =	vld [tilespmem:$0x10130];
	v17 =	vsel vm0, $0x1, v0  }
0x25: {  	v3 =	vld [tilespmem:$0x10090];
	v18 =	vcvt.f32.s32 v12;
	v11 =	vadd.s32 v11, v17;
	v17 =	vtrunc.f32 v13  }
0x26: {  	v19 =	vld [tilespmem:$0x10040];
	v10 =	vcvt.f32.s32 v7;
	v20 =	vcvt.f32.s32 v17  }
0x27: {  	v21 =	vld [tilespmem:$0x10140];
	vm0 =	vgt.f32 v13, v17;
	v13 =	vtrunc.f32 v14;
	v14 =	vtrunc.f32 v15  }
0x28: {  	v23 =	vld [tilespmem:$0x10050];
	v17 =	vsel vm0, $0x1, v0;
	v22 =	vcvt.f32.s32 v14;
	vm0 =	vgt.f32 v15, v14  }
0x29: {  	v25 =	vld [tilespmem:$0x10054];
	v9 =	vsub.s32 v10, v8;
	v14 =	vtrunc.f32 v16;
	v15 =	vsel vm0, $0x1, v0  }
0x2a: {  	v16 =	vcvt.f32.s32 v13;
	v24 =	vcvt.f32.s32 v14;
	v15 =	vadd.s32 v22, v15;
	v22 =	vld [tilespmem:$0x10154]  }
0x2b: {  	v4 =	vld [tilespmem:$0x10190];
	v13 =	vsub.s32 v18, v11;
	v14 =	vadd.s32 v20, v17;
	v20 =	vtrunc.f32 v19  }
0x2c: {  	v26 =	vcvt.f32.s32 v20;
	vm0 =	vgt.f32 v19, v20;
	v17 =	vsub.s32 v24, v15;
	v24 =	vld [tilespmem:$0x10150]  }
0x2d: {  	v5 =	vld [tilespmem:$0x100A0];
	v19 =	vtrunc.f32 v21;
	v21 =	vtrunc.f32 v23;
	v27 =	vsel vm0, $0x1, v0  }
0x2e: {  	v6 =	vld [tilespmem:$0x101A0];
	v28 =	vcvt.f32.s32 v19;
	vm0 =	vgt.f32 v23, v21;
	v23 =	vtrunc.f32 v25  }
0x2f: {  	v12 =	vld [tilespmem:$0x100C0];
	v30 =	vcvt.f32.s32 v23;
	vm1 =	vgt.f32 v25, v23;
	v23 =	vtrunc.f32 v22  }
0x30: {  	v7 =	vld [tilespmem:$0x100B0];
	v29 =	vcvt.f32.s32 v21;
	v25 =	vsel vm1, $0x1, v0;
	v31 =	vcvt.f32.s32 v23  }
0x31: {  	v10 =	vld [tilespmem:$0x101B0];
	v23 =	vadd.s32 v30, v25;
	v25 =	vsel vm0, $0x1, v0;
	v24 =	vtrunc.f32 v24  }
0x32: {  	v18 =	vld [tilespmem:$0x101C0];
	v30 =	vcvt.f32.s32 v24;
	v24 =	vadd.s32 v26, v27;
	v26 =	vsub.s32 v31, v23  }
0x33: {  	v20 =	vld [tilespmem:$0x101D0];
	v25 =	vadd.s32 v29, v25;
	v29 =	vimm.s32 $0x0;
	vm0 =	vgt.s32 v26, $0xFFFFFFFF  }
0x34: {  	v19 =	vld [tilespmem:$0x100D0];
	v27 =	vsub.s32 v28, v24;
	v28 =	vsub.s32 v30, v25;
	v29 =	vsel vm0, $0xFFFFFFFF, v29  }
0x35: {  	s30 =	rddreg [dreg:$0x3];
	v21 =	vld [tilespmem:$0x100D4];
	[tilespmem:$0x1FFD0] =	vst v29;
	vm0 =	vgt.s32 v28, $0xFFFFFFFF;
	v29 =	vimm.s32 $0x0  }
0x36: {  	v22 =	vld [tilespmem:$0x101D4];
	[tilespmem:s3], [sflag:$0x1] =	stream.linear.gather [hbm4b:s30+s3], $0x4000, $0x38;
	v29 =	vsel vm0, $0xFFFFFFFF, v29  }
0x37: {  	s31 =	rddreg [dreg:$0x4];
	vm0 =	vgt.s32 v27, $0xFFFFFFFF;
	[tilespmem:$0x1FFE0] =	vst v29;
	v29 =	vimm.s32 $0x0  }
0x38: {  	vm6 =	vgt.s32 v9, $0xFFFFFFFF;
	v16 =	vsub.s32 v16, v14;
	[tilespmem:s12], [sflag:$0x2] =	stream.linear.gather [hbm4b:s31+s3], $0x4000, $0x38;
	v29 =	vsel vm0, $0xFFFFFFFF, v29;
	[tilespmem:$0x10200] =	vst v63  }
0x39: {  	p0 =	por $0x0, $0x0;
	s20 =	simm.s32 $0x0;
	vm5 =	vgt.s32 v13, $0xFFFFFFFF;
	vm4 =	vgt.s32 v16, $0xFFFFFFFF;
	vm3 =	vgt.s32 v17, $0xFFFFFFFF;
	[tilespmem:$0x1FFF0] =	vst v29  }
.LBB2_2:
0x3a: {  	s0 =	sshrl.u32 s20, $0x1  }
0x3b: {  	s23 =	sor.u32 s4, s0  }
0x3c: {  	s0 =	scvt.s32.f32 s23;
	_ =	sdelay $0x1  }
0x3d: {  	v37 =	vmov s0  }
0x3e: {  	s1 =	simm.s32 $0x1;
	vm0 =	vge.f32 v37, v1;
	vm1 =	vle.f32 v37, v2  }
0x3f: {  	_ =	swait.ge [sflag:s13], $0x4000;
	s1 =	simm.s32 @!p0 $0x0;
	vm0 =	vmand vm0, vm1  }
0x40: {  	p1 =	seq.s32 s20, $0x0;
	[sflag:s13] =	ssyncset.done $0x0;
	s21 =	sshll.u32 s1, $0x8;
	vm7 =	vle.f32 v37, v4;
	vm8 =	vle.f32 v37, v22;
	vm0 =	vmand vm6, vm0  }
0x41: {  	[sflag:s13] =	ssyncadd.s32 $0xFFFFC000;
	s8 =	sadd.s32 $0xFFFFFFF8, s21;
	s0 =	simm.s32 @!p1 $0x3;
	vm1 =	vge.f32 v37, v3;
	v29 =	vnsel vm0, $0x100000, v8;
	v30 =	vnsel vm0, $0x0, v9  }
0x42: {  	s2 =	sadd.s32 $0x8, s8;
	s24 =	sadd.s32 $0x9, s8;
	_ =	swait.ge @!p1 [sflag:s0], $0x4000;
	vm0 =	vmand vm1, vm7;
	vm1 =	vge.f32 v37, v5;
	vm7 =	vle.f32 v37, v6  }
0x43: {  	s11 =	sadd.s32 $0xF, s8;
	s7 =	sadd.s32 $0xA, s8;
	s9 =	sadd.s32 $0xB, s8;
	v62 =	vld [tilespmem:$0x1FFE0];
	vm0 =	vmand vm5, vm0;
	v46 =	vsub.s32 s2, v29;
	v47 =	vsub.s32 s24, v29  }
0x44: {  	s26 =	sadd.s32 $0xC, s8;
	s10 =	sadd.s32 $0xD, s8;
	s8 =	sadd.s32 $0xE, s8;
	v49 =	vsub.s32 s11, v29;
	v50 =	vsub.s32 s7, v29;
	v52 =	vsub.s32 s9, v29  }
0x45: {  	v53 =	vsub.s32 s26, v29;
	v54 =	vsub.s32 s10, v29;
	v58 =	vsub.s32 s8, v29  }
0x46: {  	v31 =	vnsel vm0, $0x100000, v11;
	v32 =	vnsel vm0, $0x0, v13;
	vm0 =	vmand vm1, vm7  }
0x47: {  	v38 =	vld [tilespmem:$0x1FFF0];
	vm1 =	vge.f32 v37, v7;
	vm7 =	vle.f32 v37, v10;
	vm9 =	vgt.u32 v53, v30  }
0x48: {  	vm10 =	vgt.u32 v58, v30;
	vm0 =	vmand vm4, vm0;
	vm2 =	vnez.u8 v62  }
0x49: {  	v33 =	vnsel vm0, $0x100000, v14;
	v34 =	vnsel vm0, $0x0, v16;
	vm0 =	vmand vm1, vm7  }
0x4a: {  	[sflag:s0] =	ssyncset.done @!p1 $0x0;
	v40 =	vld [tilespmem:$0x1FFD0];
	v62 =	vsub.s32 s11, v31;
	v55 =	vsub.s32 s26, v31;
	vm0 =	vmand vm3, vm0  }
0x4b: {  	s22 =	simm.s32 $0x200;
	[sflag:s0] =	ssyncadd.s32 @!p1 $0xFFFFC000;
	vm1 =	vge.f32 v37, v12;
	vm7 =	vle.f32 v37, v18;
	v35 =	vnsel vm0, $0x100000, v15  }
0x4c: {  	v43 =	vld [tilespmem:s22+$0x180];
	v36 =	vnsel vm0, $0x0, v17;
	vm0 =	vmand vm1, vm7;
	vm1 =	vnez.u8 v38  }
0x4d: {  	v45 =	vld [tilespmem:s22+$0xFFFFFE80];
	vm7 =	vle.f32 v37, v20;
	vm0 =	vmand vm1, vm0;
	vm1 =	vge.f32 v37, v19  }
0x4e: {  	v48 =	vld [tilespmem:s22+$0xFFFFFF00];
	vm1 =	vmand vm1, vm7;
	vm7 =	vge.f32 v37, v21;
	v37 =	vnsel vm0, $0x100000, v24  }
0x4f: {  	v51 =	vld [tilespmem:s22+$0xFFFFFF80];
	v38 =	vnsel vm0, $0x0, v27;
	vm0 =	vnez.u8 v40;
	vm1 =	vmand vm2, vm1  }
0x50: {  	v44 =	vld [tilespmem:s22+$0xFFFFFE00];
	vm7 =	vmand vm7, vm8;
	vm8 =	vgt.u32 v52, v30;
	v39 =	vnsel vm1, $0x100000, v25  }
0x51: {  	v63 =	vld [tilespmem:s22+$0x0];
	vm0 =	vmand vm0, vm7;
	v40 =	vnsel vm1, $0x0, v28;
	vm1 =	vgt.u32 v47, v30  }
0x52: {  	s25 =	simm.s32 $0x8200;
	v57 =	vld [tilespmem:s22+$0x80];
	vm7 =	vgt.u32 v50, v30;
	v41 =	vnsel vm0, $0x100000, v23;
	v59 =	vsel vm1, $0x0, v45  }
0x53: {  	v50 =	vld [tilespmem:s22+$0x100];
	v42 =	vnsel vm0, $0x0, v26;
	vm0 =	vgt.u32 v49, v30;
	v60 =	vsel vm7, $0x0, v48;
	[tilespmem:s25+$0xFFFFFE80] =	vst v59  }
0x54: {  	v56 =	vsub.s32 s10, v31;
	v61 =	vsel vm8, $0x0, v51;
	v43 =	vsel vm0, $0x0, v43;
	[tilespmem:s25+$0xFFFFFF00] =	vst v60;
	v52 =	vld [tilespmem:s22+$0xFFFFFE90]  }
0x55: {  	v51 =	vsub.s32 s2, v31;
	v49 =	vsub.s32 s7, v31;
	vm0 =	vgt.u32 v46, v30;
	[tilespmem:s25+$0x180] =	vst v43;
	v46 =	vld [tilespmem:s22+$0xFFFFFF10]  }
0x56: {  	[tilespmem:s25+$0xFFFFFF80] =	vst v61;
	v60 =	vsub.s32 s9, v31;
	v44 =	vsel vm0, $0x0, v44;
	vm0 =	vgt.u32 v54, v30;
	v43 =	vld [tilespmem:s22+$0x190]  }
0x57: {  	v61 =	vld [tilespmem:s22+$0xFFFFFF90];
	vm7 =	vgt.u32 v49, v32;
	vm8 =	vgt.u32 v60, v32;
	[tilespmem:s25+$0xFFFFFE00] =	vst v44;
	v45 =	vsel vm0, $0x0, v57  }
0x58: {  	v44 =	vsel vm9, $0x0, v63;
	v63 =	vsub.s32 s24, v31;
	v48 =	vld [tilespmem:s22+$0xFFFFFE10];
	v50 =	vsel vm10, $0x0, v50;
	[tilespmem:s25+$0x80] =	vst v45  }
0x59: {  	v60 =	vsub.s32 s11, v33;
	v54 =	vsub.s32 s11, v35;
	vm1 =	vgt.u32 v63, v32;
	v57 =	vld [tilespmem:s22+$0x90];
	[tilespmem:s25+$0x100] =	vst v50  }
0x5a: {  	vm0 =	vgt.u32 v62, v32;
	[tilespmem:s25+$0x0] =	vst v44;
	v58 =	vsel vm1, $0x0, v52;
	v59 =	vsel vm7, $0x0, v46;
	v46 =	vld [tilespmem:s22+$0x110]  }
0x5b: {  	v62 =	vsub.s32 s8, v31;
	vm9 =	vgt.u32 v55, v32;
	v47 =	vld [tilespmem:s22+$0x10];
	v43 =	vsel vm0, $0x0, v43;
	[tilespmem:s25+$0xFFFFFE90] =	vst v58  }
0x5c: {  	vm10 =	vgt.u32 v62, v32;
	v62 =	vsub.s32 s24, v33;
	vm0 =	vgt.u32 v51, v32;
	[tilespmem:s25+$0x190] =	vst v43;
	v49 =	vld [tilespmem:s22+$0xFFFFFEA0]  }
0x5d: {  	v45 =	vsub.s32 s7, v33;
	[tilespmem:s25+$0xFFFFFF10] =	vst v59;
	v55 =	vsel vm0, $0x0, v48;
	vm0 =	vgt.u32 v56, v32;
	v63 =	vld [tilespmem:s22+$0x1A0]  }
0x5e: {  	v61 =	vsel vm8, $0x0, v61;
	vm1 =	vgt.u32 v60, v34;
	v53 =	vld [tilespmem:s22+$0xFFFFFF20];
	[tilespmem:s25+$0xFFFFFE10] =	vst v55;
	v43 =	vsel vm0, $0x0, v57  }
0x5f: {  	v60 =	vsub.s32 s8, v33;
	vm7 =	vgt.u32 v45, v34;
	v50 =	vld [tilespmem:s22+$0xFFFFFE20];
	[tilespmem:s25+$0x90] =	vst v43;
	v46 =	vsel vm10, $0x0, v46  }
0x60: {  	v52 =	vsub.s32 s24, v35;
	v51 =	vsub.s32 s2, v33;
	vm11 =	vgt.u32 v60, v34;
	v43 =	vld [tilespmem:s22+$0xA0];
	[tilespmem:s25+$0x110] =	vst v46  }
0x61: {  	[tilespmem:s25+$0xFFFFFF90] =	vst v61;
	v60 =	vsub.s32 s26, v35;
	v47 =	vsel vm9, $0x0, v47;
	v55 =	vsub.s32 s26, v33;
	v48 =	vld [tilespmem:s22+$0x120]  }
0x62: {  	[tilespmem:s25+$0x10] =	vst v47;
	v44 =	vsel vm1, $0x0, v63;
	v63 =	vsub.s32 s9, v33;
	vm1 =	vgt.u32 v62, v34;
	v62 =	vld [tilespmem:s22+$0xFFFFFFA0]  }
0x63: {  	vm0 =	vgt.u32 v51, v34;
	vm9 =	vgt.u32 v55, v34;
	[tilespmem:s25+$0x1A0] =	vst v44;
	vm8 =	vgt.u32 v63, v34;
	v63 =	vld [tilespmem:s22+$0x20]  }
0x64: {  	v47 =	vsub.s32 s9, v35;
	v58 =	vsel vm7, $0x0, v53;
	v53 =	vsub.s32 s7, v35;
	v61 =	vld [tilespmem:s22+$0x1B0]  }
0x65: {  	v46 =	vsub.s32 s9, v37;
	[tilespmem:s25+$0xFFFFFF20] =	vst v58;
	vm7 =	vgt.u32 v53, v36;
	v55 =	vsel vm0, $0x0, v50  }
0x66: {  	v44 =	vsub.s32 s10, v33;
	v57 =	vsel vm1, $0x0, v49;
	vm0 =	vgt.u32 v54, v36;
	v58 =	vld [tilespmem:s22+$0xFFFFFF30];
	[tilespmem:s25+$0xFFFFFE20] =	vst v55  }
0x67: {  	vm1 =	vgt.u32 v52, v36;
	vm10 =	vgt.u32 v44, v34;
	[tilespmem:s25+$0xFFFFFEA0] =	vst v57;
	v50 =	vld [tilespmem:s22+$0xFFFFFE30];
	v48 =	vsel vm11, $0x0, v48  }
0x68: {  	v44 =	vsub.s32 s2, v35;
	v57 =	vsub.s32 s24, v37;
	v55 =	vld [tilespmem:s22+$0xFFFFFEB0];
	[tilespmem:s25+$0x120] =	vst v48;
	v45 =	vsel vm9, $0x0, v63  }
0x69: {  	v43 =	vsel vm10, $0x0, v43;
	v51 =	vsel vm8, $0x0, v62;
	v52 =	vld [tilespmem:s22+$0x130];
	v59 =	vsel vm0, $0x0, v61;
	[tilespmem:s25+$0x20] =	vst v45  }
0x6a: {  	v62 =	vsub.s32 s10, v35;
	vm8 =	vgt.u32 v47, v36;
	v63 =	vsub.s32 s8, v35;
	[tilespmem:s25+$0x1B0] =	vst v59;
	v47 =	vld [tilespmem:s22+$0x30]  }
0x6b: {  	[tilespmem:s25+$0xFFFFFFA0] =	vst v51;
	vm9 =	vgt.u32 v60, v36;
	vm10 =	vgt.u32 v62, v36;
	v62 =	vsub.s32 s2, v37;
	v61 =	vld [tilespmem:s22+$0x1C0]  }
0x6c: {  	[tilespmem:s25+$0xA0] =	vst v43;
	v58 =	vsel vm7, $0x0, v58;
	vm7 =	vgt.u32 v57, v38;
	vm0 =	vgt.u32 v44, v36;
	v51 =	vld [tilespmem:s22+$0xFFFFFFB0]  }
0x6d: {  	v57 =	vsub.s32 s11, v39;
	v45 =	vld [tilespmem:s22+$0xB0];
	v59 =	vsub.s32 s11, v37;
	v60 =	vsel vm0, $0x0, v50  }
0x6e: {  	vm0 =	vgt.u32 v63, v36;
	v63 =	vsel vm1, $0x0, v55;
	v55 =	vsub.s32 s10, v37;
	[tilespmem:s25+$0xFFFFFE30] =	vst v60  }
0x6f: {  	vm1 =	vgt.u32 v62, v38;
	vm11 =	vgt.u32 v59, v38;
	[tilespmem:s25+$0xFFFFFEB0] =	vst v63;
	v54 =	vld [tilespmem:s22+$0xFFFFFE40];
	v62 =	vsel vm9, $0x0, v47  }
0x70: {  	v50 =	vsub.s32 s7, v39;
	v59 =	vsub.s32 s7, v37;
	v48 =	vld [tilespmem:s22+$0xFFFFFEC0];
	v61 =	vsel vm11, $0x0, v61;
	[tilespmem:s25+$0x30] =	vst v62  }
0x71: {  	v63 =	vsub.s32 s8, v37;
	v60 =	vsel vm8, $0x0, v51;
	vm9 =	vgt.u32 v46, v38;
	[tilespmem:s25+$0x1C0] =	vst v61;
	v46 =	vld [tilespmem:s22+$0x40]  }
0x72: {  	[tilespmem:s25+$0xFFFFFF30] =	vst v58;
	v45 =	vsel vm10, $0x0, v45;
	vm8 =	vgt.u32 v59, v38;
	v59 =	vsel vm0, $0x0, v52;
	v53 =	vld [tilespmem:s22+$0x1D0]  }
0x73: {  	v56 =	vld [tilespmem:s22+$0xFFFFFF40];
	vm0 =	vgt.u32 v57, v40;
	v52 =	vsub.s32 s9, v39;
	[tilespmem:s25+$0xFFFFFFB0] =	vst v60;
	v61 =	vsub.s32 s26, v37  }
0x74: {  	v57 =	vsub.s32 s11, v41;
	[tilespmem:s25+$0xB0] =	vst v45;
	v58 =	vld [tilespmem:s22+$0xFFFFFFC0];
	vm10 =	vgt.u32 v61, v38;
	v61 =	vsel vm1, $0x0, v54  }
0x75: {  	v45 =	vsub.s32 s2, v39;
	v47 =	vsub.s32 s26, v39;
	v51 =	vld [tilespmem:s22+$0xC0];
	v62 =	vsel vm7, $0x0, v48;
	[tilespmem:s25+$0xFFFFFE40] =	vst v61  }
0x76: {  	[tilespmem:s25+$0x130] =	vst v59;
	v48 =	vsub.s32 s24, v39;
	vm7 =	vgt.u32 v45, v40;
	vm1 =	vgt.u32 v55, v38;
	v54 =	vld [tilespmem:s22+$0xFFFFFE50]  }
0x77: {  	[tilespmem:s25+$0xFFFFFEC0] =	vst v62;
	v55 =	vsub.s32 s10, v41;
	v46 =	vsel vm10, $0x0, v46;
	v60 =	vsel vm0, $0x0, v53;
	v53 =	vld [tilespmem:s22+$0x140]  }
0x78: {  	v61 =	vsub.s32 s8, v39;
	vm0 =	vgt.u32 v63, v38;
	v63 =	vsel vm8, $0x0, v56;
	v56 =	vld [tilespmem:s22+$0xFFFFFED0];
	[tilespmem:s25+$0x40] =	vst v46  }
0x79: {  	v44 =	vsel vm9, $0x0, v58;
	vm9 =	vgt.u32 v50, v40;
	vm10 =	vgt.u32 v47, v40;
	[tilespmem:s25+$0x1D0] =	vst v60;
	v46 =	vld [tilespmem:s22+$0x50]  }
0x7a: {  	vm8 =	vgt.u32 v48, v40;
	v60 =	vsub.s32 s10, v39;
	[tilespmem:s25+$0xFFFFFF40] =	vst v63;
	v63 =	vsel vm1, $0x0, v51;
	v43 =	vld [tilespmem:s22+$0x1D4]  }
0x7b: {  	[tilespmem:s25+$0xFFFFFFC0] =	vst v44;
	vm1 =	vgt.u32 v57, v42;
	v51 =	vsub.s32 s24, v41;
	v62 =	vld [tilespmem:s22+$0xFFFFFF50];
	v59 =	vsel vm7, $0x0, v54  }
0x7c: {  	v57 =	vld [tilespmem:s22+$0xFFFFFFD0];
	[tilespmem:s25+$0xC0] =	vst v63;
	vm7 =	vgt.u32 v61, v40;
	vm11 =	vgt.u32 v51, v42;
	v58 =	vsel vm0, $0x0, v53  }
0x7d: {  	s11 =	sadd.s32 $0x0, s21;
	v49 =	vld [tilespmem:s22+$0xD0];
	[tilespmem:s25+$0xFFFFFE50] =	vst v59;
	vm0 =	vgt.u32 v60, v40;
	v60 =	vsub.s32 s2, v41;
	v53 =	vsub.s32 s9, v41  }
0x7e: {  	s0 =	sadd.s32 $0x9, s11;
	s24 =	sadd.s32 $0xD, s11;
	v54 =	vld [tilespmem:s22+$0xFFFFFE54];
	v61 =	vsel vm8, $0x0, v56;
	[tilespmem:s25+$0x140] =	vst v58;
	v46 =	vsel vm10, $0x0, v46;
	vm8 =	vgt.u32 v53, v42  }
0x7f: {  	[tilespmem:s25+$0xFFFFFED0] =	vst v61;
	v53 =	vsub.s32 s0, v29;
	v58 =	vsub.s32 s24, v29;
	v43 =	vsel vm1, $0x0, v43;
	v44 =	vld [tilespmem:s22+$0x150]  }
0x80: {  	vm1 =	vgt.u32 v52, v40;
	v45 =	vsel vm9, $0x0, v62;
	v62 =	vsub.s32 s26, v41;
	v63 =	vld [tilespmem:s22+$0xFFFFFED4];
	s26 =	simm.s32 $0x600  }
0x81: {  	v52 =	vsub.s32 s7, v41;
	vm10 =	vmmov vm8;
	v48 =	vsel vm1, $0x0, v57;
	v47 =	vld [tilespmem:s26+$0x180]  }
0x82: {  	vm1 =	vgt.u32 v60, v42;
	v60 =	vsub.s32 s8, v41;
	vm12 =	vgt.u32 v52, v42;
	[tilespmem:s25+$0x1D4] =	vst v43;
	v43 =	vld [tilespmem:s26+$0xFFFFFE00]  }
0x83: {  	s1 =	sadd.s32 $0x8, s11;
	[tilespmem:s25+$0x50] =	vst v46;
	vm9 =	vgt.u32 v62, v42;
	v62 =	vsel vm0, $0x0, v49;
	vm0 =	vgt.u32 v55, v42;
	v50 =	vld [tilespmem:s26+$0xFFFFFE80]  }
0x84: {  	s10 =	sadd.s32 $0xC, s11;
	[tilespmem:s25+$0xFFFFFF50] =	vst v45;
	v52 =	vsub.s32 s1, v29;
	v56 =	vld [tilespmem:s26+$0xFFFFFF80];
	v49 =	vsel vm1, $0x0, v54;
	vm9 =	vmmov vm9  }
0x85: {  	v61 =	vld [tilespmem:s22+$0xFFFFFF54];
	vm8 =	vmmov vm0;
	[tilespmem:s25+$0xD0] =	vst v62;
	v62 =	vsub.s32 s10, v29;
	vm1 =	vgt.u32 v53, v30  }
0x86: {  	s2 =	sadd.s32 $0xF, s11;
	s8 =	sadd.s32 $0xA, s11;
	[tilespmem:s25+$0xFFFFFFD0] =	vst v48;
	v54 =	vld [tilespmem:s26+$0xFFFFFF00];
	vm13 =	vgt.u32 v62, v30;
	v44 =	vsel vm7, $0x0, v44;
	vm7 =	vgt.u32 v60, v42  }
0x87: {  	s9 =	sadd.s32 $0xE, s11;
	v48 =	vld [tilespmem:s26+$0x100];
	[tilespmem:s25+$0xFFFFFE54] =	vst v49;
	v46 =	vsel vm11, $0x0, v63;
	v63 =	vsub.s32 s2, v29;
	v60 =	vsub.s32 s8, v29  }
0x88: {  	v45 =	vld [tilespmem:s22+$0xFFFFFFD4];
	vm7 =	vmmov vm7;
	vm0 =	vgt.u32 v63, v30;
	[tilespmem:s25+$0x150] =	vst v44;
	v63 =	vsub.s32 s9, v29  }
0x89: {  	s28 =	simm.s32 $0x8600;
	s7 =	sadd.s32 $0xB, s11;
	v44 =	vld [tilespmem:s26+$0x0];
	vm11 =	vgt.u32 v60, v30;
	[tilespmem:s25+$0xFFFFFED4] =	vst v46;
	v60 =	vsel vm1, $0x0, v50;
	v47 =	vsel vm0, $0x0, v47  }
0x8a: {  	v51 =	vsel vm12, $0x0, v61;
	v61 =	vsub.s32 s7, v29;
	vm0 =	vgt.u32 v52, v30;
	v52 =	vld [tilespmem:s26+$0x80];
	[tilespmem:s28+$0x180] =	vst v47  }
0x8b: {  	vm14 =	vgt.u32 v63, v30;
	[tilespmem:s28+$0xFFFFFE80] =	vst v60;
	v63 =	vsub.s32 s2, v31;
	v60 =	vsub.s32 s0, v31;
	v47 =	vld [tilespmem:s26+$0x190]  }
0x8c: {  	vm12 =	vgt.u32 v61, v30;
	v59 =	vsel vm0, $0x0, v43;
	vm0 =	vgt.u32 v58, v30;
	v43 =	vld [tilespmem:s22+$0x54];
	[tilespmem:s25+$0xFFFFFF54] =	vst v51  }
0x8d: {  	v61 =	vsel vm11, $0x0, v54;
	v54 =	vsub.s32 s1, v31;
	v55 =	vld [tilespmem:s26+$0xFFFFFE90];
	v48 =	vsel vm14, $0x0, v48;
	[tilespmem:s28+$0xFFFFFE00] =	vst v59  }
0x8e: {  	vm1 =	vgt.u32 v60, v32;
	v60 =	vsub.s32 s9, v31;
	v62 =	vsel vm12, $0x0, v56;
	[tilespmem:s28+$0xFFFFFF00] =	vst v61;
	v53 =	vld [tilespmem:s26+$0xFFFFFE10]  }
0x8f: {  	v61 =	vsub.s32 s8, v31;
	[tilespmem:s28+$0x100] =	vst v48;
	v46 =	vld [tilespmem:s26+$0xFFFFFF10];
	v49 =	vsel vm0, $0x0, v52;
	vm0 =	vgt.u32 v63, v32  }
0x90: {  	v59 =	vsub.s32 s24, v31;
	vm14 =	vgt.u32 v60, v32;
	[tilespmem:s28+$0xFFFFFF80] =	vst v62;
	v48 =	vld [tilespmem:s26+$0x110];
	v47 =	vsel vm0, $0x0, v47  }
0x91: {  	v62 =	vsub.s32 s7, v31;
	vm11 =	vgt.u32 v61, v32;
	v44 =	vsel vm13, $0x0, v44;
	v57 =	vld [tilespmem:s26+$0xFFFFFF90];
	[tilespmem:s28+$0x190] =	vst v47  }
0x92: {  	vm12 =	vgt.u32 v62, v32;
	v63 =	vsub.s32 s10, v31;
	[tilespmem:s28+$0x0] =	vst v44;
	v52 =	vsub.s32 s9, v39;
	v47 =	vld [tilespmem:s26+$0x1A0]  }
0x93: {  	v44 =	vld [tilespmem:s22+$0xD4];
	vm13 =	vgt.u32 v63, v32;
	[tilespmem:s28+$0x80] =	vst v49;
	v58 =	vsel vm1, $0x0, v55;
	vm0 =	vgt.u32 v54, v32  }
0x94: {  	v61 =	vld [tilespmem:s26+$0x10];
	v55 =	vsub.s32 s0, v33;
	v54 =	vsub.s32 s1, v33;
	[tilespmem:s28+$0xFFFFFE90] =	vst v58;
	v62 =	vsel vm0, $0x0, v53  }
0x95: {  	v63 =	vld [tilespmem:s26+$0x90];
	vm0 =	vgt.u32 v59, v32;
	v46 =	vsel vm11, $0x0, v46;
	v59 =	vsub.s32 s2, v33;
	[tilespmem:s28+$0xFFFFFE10] =	vst v62  }
0x96: {  	v58 =	vsub.s32 s10, v33;
	v48 =	vsel vm14, $0x0, v48;
	vm1 =	vgt.u32 v59, v34;
	[tilespmem:s28+$0xFFFFFF10] =	vst v46;
	v53 =	vld [tilespmem:s26+$0xFFFFFE20]  }
0x97: {  	v49 =	vld [tilespmem:s26+$0xFFFFFEA0];
	v60 =	vsel vm12, $0x0, v57;
	v46 =	vsub.s32 s8, v33;
	[tilespmem:s28+$0x110] =	vst v48;
	v47 =	vsel vm1, $0x0, v47  }
0x98: {  	v57 =	vsub.s32 s7, v33;
	v62 =	vsub.s32 s24, v33;
	v56 =	vld [tilespmem:s26+$0xFFFFFF20];
	vm11 =	vgt.u32 v46, v34;
	[tilespmem:s28+$0x1A0] =	vst v47  }
0x99: {  	[tilespmem:s28+$0xFFFFFF90] =	vst v60;
	vm12 =	vgt.u32 v57, v34;
	vm14 =	vgt.u32 v62, v34;
	v50 =	vsel vm13, $0x0, v61;
	v60 =	vld [tilespmem:s26+$0x1B0]  }
0x9a: {  	vm13 =	vgt.u32 v58, v34;
	v61 =	vsel vm0, $0x0, v63;
	vm0 =	vgt.u32 v54, v34;
	v54 =	vld [tilespmem:s26+$0xFFFFFFA0];
	[tilespmem:s28+$0x10] =	vst v50  }
0x9b: {  	v63 =	vsub.s32 s9, v33;
	v46 =	vld [tilespmem:s26+$0x20];
	[tilespmem:s28+$0x90] =	vst v61;
	vm1 =	vgt.u32 v55, v34;
	v62 =	vsel vm0, $0x0, v53  }
0x9c: {  	v61 =	vsub.s32 s2, v35;
	v50 =	vld [tilespmem:s26+$0xA0];
	vm0 =	vgt.u32 v63, v34;
	v63 =	vsel vm1, $0x0, v49;
	[tilespmem:s28+$0xFFFFFE20] =	vst v62  }
0x9d: {  	v49 =	vld [tilespmem:s26+$0x120];
	vm1 =	vgt.u32 v61, v36;
	v47 =	vsub.s32 s1, v35;
	v51 =	vsel vm11, $0x0, v56;
	[tilespmem:s28+$0xFFFFFEA0] =	vst v63  }
0x9e: {  	v61 =	vsub.s32 s0, v35;
	v56 =	vsub.s32 s8, v35;
	[tilespmem:s28+$0xFFFFFF20] =	vst v51;
	v53 =	vld [tilespmem:s26+$0xFFFFFE30];
	v60 =	vsel vm1, $0x0, v60  }
0x9f: {  	v62 =	vsub.s32 s7, v35;
	v63 =	vsub.s32 s10, v35;
	vm11 =	vgt.u32 v61, v36;
	v61 =	vld [tilespmem:s26+$0xFFFFFF30];
	[tilespmem:s28+$0x1B0] =	vst v60  }
0xa0: {  	v51 =	vsub.s32 s24, v35;
	v54 =	vsel vm12, $0x0, v54;
	vm12 =	vgt.u32 v62, v36;
	v57 =	vld [tilespmem:s26+$0x1C0]  }
0xa1: {  	v58 =	vld [tilespmem:s26+$0xFFFFFEB0];
	v62 =	vsub.s32 s2, v37;
	v46 =	vsel vm13, $0x0, v46;
	[tilespmem:s28+$0xFFFFFFA0] =	vst v54;
	v50 =	vsel vm14, $0x0, v50  }
0xa2: {  	vm13 =	vgt.u32 v63, v36;
	v54 =	vld [tilespmem:s26+$0xFFFFFFB0];
	vm14 =	vgt.u32 v62, v38;
	v62 =	vsub.s32 s8, v37;
	[tilespmem:s28+$0xA0] =	vst v50  }
0xa3: {  	[tilespmem:s28+$0x20] =	vst v46;
	v49 =	vsel vm0, $0x0, v49;
	vm0 =	vgt.u32 v56, v36;
	vm1 =	vgt.u32 v47, v36;
	v50 =	vld [tilespmem:s26+$0xB0]  }
0xa4: {  	v48 =	vld [tilespmem:s26+$0x30];
	[tilespmem:s28+$0x120] =	vst v49;
	v49 =	vsub.s32 s7, v37;
	v60 =	vsub.s32 s9, v35;
	v61 =	vsel vm0, $0x0, v61  }
0xa5: {  	v63 =	vsel vm1, $0x0, v53;
	v53 =	vsub.s32 s0, v37;
	v55 =	vld [tilespmem:s26+$0x130];
	[tilespmem:s28+$0xFFFFFF30] =	vst v61;
	v57 =	vsel vm14, $0x0, v57  }
0xa6: {  	[tilespmem:s28+$0xFFFFFE30] =	vst v63;
	vm14 =	vgt.u32 v60, v36;
	v60 =	vsel vm11, $0x0, v58;
	vm11 =	vgt.u32 v53, v38;
	v53 =	vld [tilespmem:s26+$0xFFFFFF40]  }
0xa7: {  	vm1 =	vgt.u32 v51, v36;
	v51 =	vsub.s32 s1, v37;
	v63 =	vsel vm12, $0x0, v54;
	[tilespmem:s28+$0x1C0] =	vst v57;
	v57 =	vld [tilespmem:s26+$0xFFFFFE40]  }
0xa8: {  	vm0 =	vgt.u32 v51, v38;
	v61 =	vsub.s32 s2, v39;
	[tilespmem:s28+$0xFFFFFFB0] =	vst v63;
	v50 =	vsel vm1, $0x0, v50;
	v56 =	vld [tilespmem:s26+$0x1D0]  }
0xa9: {  	v54 =	vsub.s32 s10, v37;
	vm1 =	vgt.u32 v62, v38;
	v47 =	vld [tilespmem:s26+$0xFFFFFFC0];
	[tilespmem:s28+$0xB0] =	vst v50;
	v50 =	vsub.s32 s10, v39  }
0xaa: {  	[tilespmem:s28+$0xFFFFFEB0] =	vst v60;
	v60 =	vsel vm13, $0x0, v48;
	v62 =	vsel vm14, $0x0, v55;
	vm14 =	vgt.u32 v54, v38;
	v54 =	vld [tilespmem:s26+$0xC0]  }
0xab: {  	vm12 =	vgt.u32 v61, v40;
	v58 =	vsub.s32 s24, v37;
	v48 =	vsub.s32 s9, v37;
	v51 =	vld [tilespmem:s26+$0xFFFFFEC0];
	[tilespmem:s28+$0x30] =	vst v60  }
0xac: {  	vm13 =	vgt.u32 v49, v38;
	[tilespmem:s28+$0x130] =	vst v62;
	v63 =	vld [tilespmem:s26+$0x40];
	v62 =	vsel vm1, $0x0, v53;
	v60 =	vsel vm0, $0x0, v57  }
0xad: {  	vm0 =	vgt.u32 v48, v38;
	v48 =	vsub.s32 s1, v39;
	[tilespmem:s28+$0xFFFFFF40] =	vst v62;
	v59 =	vsel vm12, $0x0, v56;
	v56 =	vld [tilespmem:s26+$0x140]  }
0xae: {  	v47 =	vsel vm13, $0x0, v47;
	v53 =	vsub.s32 s8, v39;
	[tilespmem:s28+$0xFFFFFE40] =	vst v60;
	vm1 =	vgt.u32 v48, v40;
	v48 =	vld [tilespmem:s26+$0xFFFFFF50]  }
0xaf: {  	v55 =	vsub.s32 s7, v39;
	[tilespmem:s28+$0xFFFFFFC0] =	vst v47;
	vm13 =	vgt.u32 v53, v40;
	vm12 =	vgt.u32 v58, v38;
	v57 =	vld [tilespmem:s26+$0xFFFFFE50]  }
0xb0: {  	v53 =	vld [tilespmem:s26+$0xFFFFFFD0];
	v61 =	vsel vm11, $0x0, v51;
	v51 =	vsub.s32 s0, v39;
	v58 =	vsub.s32 s24, v39;
	[tilespmem:s28+$0x1D0] =	vst v59  }
0xb1: {  	v60 =	vsub.s32 s2, v41;
	[tilespmem:s28+$0xFFFFFEC0] =	vst v61;
	v49 =	vsel vm14, $0x0, v63;
	v63 =	vsel vm12, $0x0, v54;
	v46 =	vld [tilespmem:s26+$0x1D4]  }
0xb2: {  	vm11 =	vgt.u32 v60, v42;
	vm12 =	vgt.u32 v51, v40;
	vm14 =	vgt.u32 v50, v40;
	v59 =	vld [tilespmem:s26+$0xFFFFFED0];
	[tilespmem:s28+$0x40] =	vst v49  }
0xb3: {  	v61 =	vsub.s32 s1, v41;
	[tilespmem:s28+$0xC0] =	vst v63;
	v54 =	vld [tilespmem:s26+$0x50];
	v56 =	vsel vm0, $0x0, v56;
	vm0 =	vgt.u32 v58, v40  }
0xb4: {  	v63 =	vsel vm13, $0x0, v48;
	v60 =	vsel vm1, $0x0, v57;
	vm1 =	vgt.u32 v52, v40;
	v52 =	vld [tilespmem:s26+$0xD0];
	[tilespmem:s28+$0x140] =	vst v56  }
0xb5: {  	v48 =	vsub.s32 s8, v41;
	v58 =	vsub.s32 s10, v41;
	vm13 =	vgt.u32 v61, v42;
	[tilespmem:s28+$0xFFFFFF50] =	vst v63;
	v56 =	vld [tilespmem:s26+$0x150]  }
0xb6: {  	v57 =	vsub.s32 s7, v41;
	v46 =	vsel vm11, $0x0, v46;
	vm11 =	vgt.u32 v55, v40;
	[tilespmem:s28+$0xFFFFFE50] =	vst v60;
	v50 =	vld [tilespmem:s26+$0xFFFFFF54]  }
0xb7: {  	v62 =	vsel vm12, $0x0, v59;
	v55 =	vsub.s32 s0, v41;
	v59 =	vsub.s32 s24, v41;
	[tilespmem:s28+$0x1D4] =	vst v46;
	v51 =	vld [tilespmem:s26+$0xFFFFFE54]  }
0xb8: {  	v60 =	vsub.s32 s9, v41;
	v46 =	vld [tilespmem:s22+$0x154];
	[tilespmem:s28+$0xFFFFFED0] =	vst v62;
	v53 =	vsel vm11, $0x0, v53;
	v54 =	vsel vm14, $0x0, v54  }
0xb9: {  	vm12 =	vgt.u32 v55, v42;
	vm11 =	vgt.u32 v48, v42;
	vm14 =	vgt.u32 v57, v42;
	v49 =	vld [tilespmem:s26+$0xFFFFFED4];
	[tilespmem:s28+$0xFFFFFFD0] =	vst v53  }
0xba: {  	s30 =	simm.s32 $0x8;
	s31 =	simm.s32 $0xA00;
	s24 =	sshll.u32 s20, $0x8;
	vm15 =	vgt.u32 v60, v42;
	[tilespmem:s28+$0x50] =	vst v54;
	v47 =	vld [tilespmem:s26+$0xFFFFFFD4];
	v52 =	vsel vm0, $0x0, v52;
	vm0 =	vgt.u32 v58, v42  }
0xbb: {  	s29 =	simm.s32 $0x8600;
	s22 =	sshll.u32 s20, $0x1;
	s24 =	sand.u32 $0x100, s24;
	v48 =	vld [tilespmem:s26+$0x54];
	v53 =	vsel vm1, $0x0, v56;
	vm1 =	vgt.u32 v59, v42;
	[tilespmem:s28+$0xD0] =	vst v52;
	v52 =	vsel vm10, $0x0, v45  }
.LBB2_3:
0xbc: {  	v45 =	vsel vm13, $0x0, v51;
	v51 =	vsel vm9, $0x0, v43;
	v44 =	vsel vm8, $0x0, v44  }
0xbd: {  	v54 =	vld [tilespmem:s31+$0x180];
	[tilespmem:s28+$0x150] =	vst v53;
	vm10 =	vmmov vm14;
	vm9 =	vmmov vm0;
	vm8 =	vmmov vm1;
	s0 =	smov.u32 s30;
	s30 =	sadd.s32 $0x8, s30  }
0xbe: {  	v46 =	vsel vm7, $0x0, v46;
	vm7 =	vmmov vm15;
	s1 =	sadd.s32 s0, s21;
	v53 =	vld [tilespmem:s31+$0xFFFFFE00];
	p2 =	slt.u32 s30, $0x78;
	[tilespmem:s28+$0xFFFFFE54] =	vst v45;
	v43 =	vsel vm12, $0x0, v49  }
0xbf: {  	s10 =	sadd.s32 $0x8, s1;
	s2 =	sadd.s32 $0x9, s1;
	v49 =	vld [tilespmem:s31+$0xFFFFFE80];
	s11 =	sadd.s32 $0xF, s1;
	[tilespmem:s28+$0xFFFFFED4] =	vst v43;
	v60 =	vsel vm11, $0x0, v50  }
0xc0: {  	s8 =	sadd.s32 $0xA, s1;
	s9 =	sadd.s32 $0xB, s1;
	s0 =	sadd.s32 $0xC, s1;
	v50 =	vsub.s32 s10, v29;
	v55 =	vsub.s32 s2, v29;
	v56 =	vld [tilespmem:s31+$0xFFFFFF00];
	v57 =	vsub.s32 s11, v29;
	v45 =	vmovc v47  }
0xc1: {  	s7 =	sadd.s32 $0xD, s1;
	s1 =	sadd.s32 $0xE, s1;
	v47 =	vsub.s32 s8, v29;
	v59 =	vsub.s32 s9, v29;
	v58 =	vld [tilespmem:s31+$0xFFFFFF80];
	vm0 =	vgt.u32 v57, v30;
	[tilespmem:s28+$0xFFFFFF54] =	vst v60;
	v43 =	vmovc v48  }
0xc2: {  	v57 =	vsub.s32 s0, v29;
	v60 =	vsub.s32 s7, v29;
	s28 =	sadd.s32 $0x400, s28;
	v48 =	vld [tilespmem:s31+$0x0];
	v54 =	vsel vm0, $0x0, v54;
	[tilespmem:s25+$0xFFFFFFD4] =	vst v52  }
0xc3: {  	vm1 =	vgt.u32 v55, v30;
	vm0 =	vgt.u32 v50, v30;
	v52 =	vsub.s32 s1, v29;
	v50 =	vld [tilespmem:s31+$0x80];
	[tilespmem:s28+$0x180] =	vst v54  }
0xc4: {  	vm11 =	vgt.u32 v47, v30;
	vm12 =	vgt.u32 v59, v30;
	vm13 =	vgt.u32 v57, v30;
	v47 =	vld [tilespmem:s31+$0x190];
	[tilespmem:s25+$0x54] =	vst v51  }
0xc5: {  	vm14 =	vgt.u32 v52, v30;
	v51 =	vsel vm0, $0x0, v53;
	vm0 =	vgt.u32 v60, v30;
	v53 =	vld [tilespmem:s31+$0x100];
	[tilespmem:s25+$0xD4] =	vst v44  }
0xc6: {  	v49 =	vsel vm1, $0x0, v49;
	[tilespmem:s28+$0xFFFFFE00] =	vst v51;
	v51 =	vsel vm11, $0x0, v56;
	v52 =	vsel vm12, $0x0, v58;
	v44 =	vld [tilespmem:s26+$0xD4]  }
0xc7: {  	v55 =	vsub.s32 s10, v31;
	v54 =	vld [tilespmem:s31+$0xFFFFFE10];
	[tilespmem:s28+$0xFFFFFE80] =	vst v49;
	v48 =	vsel vm13, $0x0, v48;
	v49 =	vsub.s32 s11, v31  }
0xc8: {  	v57 =	vsub.s32 s2, v31;
	v56 =	vld [tilespmem:s31+$0xFFFFFE90];
	[tilespmem:s28+$0xFFFFFF00] =	vst v51;
	v50 =	vsel vm0, $0x0, v50;
	vm0 =	vgt.u32 v49, v32  }
0xc9: {  	v51 =	vsub.s32 s8, v31;
	v49 =	vld [tilespmem:s31+$0xFFFFFF10];
	[tilespmem:s28+$0xFFFFFF80] =	vst v52;
	v52 =	vsub.s32 s9, v31;
	v47 =	vsel vm0, $0x0, v47  }
0xca: {  	v59 =	vsub.s32 s0, v31;
	v60 =	vsub.s32 s7, v31;
	v58 =	vld [tilespmem:s31+$0xFFFFFF90];
	v53 =	vsel vm14, $0x0, v53;
	[tilespmem:s28+$0x190] =	vst v47  }
0xcb: {  	vm1 =	vgt.u32 v57, v32;
	vm0 =	vgt.u32 v55, v32;
	v47 =	vsub.s32 s1, v31;
	[tilespmem:s28+$0x0] =	vst v48;
	v48 =	vld [tilespmem:s31+$0x1A0]  }
0xcc: {  	vm13 =	vgt.u32 v59, v32;
	vm11 =	vgt.u32 v51, v32;
	vm12 =	vgt.u32 v52, v32;
	v51 =	vld [tilespmem:s31+$0x10];
	[tilespmem:s28+$0x80] =	vst v50  }
0xcd: {  	vm14 =	vgt.u32 v60, v32;
	v50 =	vsel vm0, $0x0, v54;
	vm0 =	vgt.u32 v47, v32;
	v52 =	vld [tilespmem:s31+$0x90];
	[tilespmem:s28+$0x100] =	vst v53  }
0xce: {  	v47 =	vsel vm1, $0x0, v56;
	v53 =	vsub.s32 s11, v33;
	[tilespmem:s28+$0xFFFFFE10] =	vst v50;
	v49 =	vsel vm11, $0x0, v49;
	v50 =	vld [tilespmem:s31+$0x110]  }
0xcf: {  	v55 =	vsub.s32 s10, v33;
	vm1 =	vgt.u32 v53, v34;
	v54 =	vld [tilespmem:s31+$0xFFFFFE20];
	[tilespmem:s28+$0xFFFFFE90] =	vst v47;
	v47 =	vsel vm12, $0x0, v58  }
0xd0: {  	v56 =	vsub.s32 s2, v33;
	v53 =	vld [tilespmem:s31+$0xFFFFFEA0];
	[tilespmem:s28+$0xFFFFFF10] =	vst v49;
	v49 =	vsub.s32 s8, v33;
	v48 =	vsel vm1, $0x0, v48  }
0xd1: {  	v59 =	vsub.s32 s0, v33;
	v58 =	vsub.s32 s9, v33;
	v57 =	vld [tilespmem:s31+$0xFFFFFF20];
	v51 =	vsel vm13, $0x0, v51;
	[tilespmem:s28+$0x1A0] =	vst v48  }
0xd2: {  	v48 =	vsub.s32 s7, v33;
	[tilespmem:s28+$0xFFFFFF90] =	vst v47;
	v47 =	vsel vm14, $0x0, v52;
	v52 =	vsub.s32 s1, v33;
	v60 =	vld [tilespmem:s31+$0x1B0]  }
0xd3: {  	vm11 =	vgt.u32 v55, v34;
	vm12 =	vgt.u32 v56, v34;
	v55 =	vld [tilespmem:s31+$0xFFFFFFA0];
	[tilespmem:s28+$0x10] =	vst v51;
	v50 =	vsel vm0, $0x0, v50  }
0xd4: {  	vm15 =	vgt.u32 v59, v34;
	vm13 =	vgt.u32 v49, v34;
	vm14 =	vgt.u32 v58, v34;
	v49 =	vld [tilespmem:s31+$0x20];
	[tilespmem:s28+$0x90] =	vst v47  }
0xd5: {  	vm1 =	vgt.u32 v48, v34;
	v48 =	vsub.s32 s11, v35;
	vm0 =	vgt.u32 v52, v34;
	v47 =	vld [tilespmem:s31+$0xA0];
	[tilespmem:s28+$0x110] =	vst v50  }
0xd6: {  	v50 =	vsel vm11, $0x0, v54;
	v51 =	vsel vm12, $0x0, v53;
	vm11 =	vgt.u32 v48, v36;
	v52 =	vld [tilespmem:s31+$0x120];
	[tilespmem:s25+$0x154] =	vst v46;
	s25 =	smov.u32 s29;
	s29 =	smov.u32 s28  }
0xd7: {  	v48 =	vsub.s32 s10, v35;
	[tilespmem:s28+$0xFFFFFE20] =	vst v50;
	v50 =	vsel vm13, $0x0, v57;
	v53 =	vsel vm11, $0x0, v60;
	v46 =	vld [tilespmem:s26+$0x154];
	s26 =	smov.u32 s31  }
0xd8: {  	v56 =	vsub.s32 s2, v35;
	v57 =	vsub.s32 s8, v35;
	v54 =	vld [tilespmem:s31+$0xFFFFFE30];
	v55 =	vsel vm14, $0x0, v55;
	[tilespmem:s28+$0x1B0] =	vst v53  }
0xd9: {  	v53 =	vsub.s32 s0, v35;
	[tilespmem:s28+$0xFFFFFEA0] =	vst v51;
	v51 =	vsub.s32 s9, v35;
	v49 =	vsel vm15, $0x0, v49;
	v58 =	vld [tilespmem:s31+$0x1C0]  }
0xda: {  	v60 =	vsub.s32 s1, v35;
	v59 =	vld [tilespmem:s31+$0xFFFFFEB0];
	[tilespmem:s28+$0xFFFFFF20] =	vst v50;
	v47 =	vsel vm1, $0x0, v47;
	v50 =	vsub.s32 s7, v35  }
0xdb: {  	vm11 =	vgt.u32 v56, v36;
	vm1 =	vgt.u32 v48, v36;
	v48 =	vld [tilespmem:s31+$0xFFFFFF30];
	[tilespmem:s28+$0xFFFFFFA0] =	vst v55;
	v52 =	vsel vm0, $0x0, v52  }
0xdc: {  	vm12 =	vgt.u32 v57, v36;
	vm13 =	vgt.u32 v51, v36;
	v55 =	vld [tilespmem:s31+$0xFFFFFFB0];
	[tilespmem:s28+$0x20] =	vst v49;
	v49 =	vsub.s32 s11, v37  }
0xdd: {  	vm14 =	vgt.u32 v53, v36;
	vm0 =	vgt.u32 v50, v36;
	v51 =	vld [tilespmem:s31+$0x30];
	[tilespmem:s28+$0xA0] =	vst v47;
	vm15 =	vgt.u32 v49, v38  }
0xde: {  	v47 =	vsel vm1, $0x0, v54;
	vm1 =	vgt.u32 v60, v36;
	v49 =	vld [tilespmem:s31+$0xB0];
	[tilespmem:s28+$0x120] =	vst v52;
	v50 =	vsel vm15, $0x0, v58  }
0xdf: {  	v54 =	vsub.s32 s2, v37;
	v52 =	vsub.s32 s10, v37;
	v53 =	vsel vm11, $0x0, v59;
	v56 =	vld [tilespmem:s31+$0x130];
	[tilespmem:s28+$0x1C0] =	vst v50  }
0xe0: {  	v50 =	vsub.s32 s9, v37;
	[tilespmem:s28+$0xFFFFFE30] =	vst v47;
	v47 =	vsel vm12, $0x0, v48;
	v48 =	vsub.s32 s8, v37;
	v57 =	vld [tilespmem:s31+$0x1D0]  }
0xe1: {  	v59 =	vsub.s32 s7, v37;
	v58 =	vld [tilespmem:s31+$0xFFFFFE40];
	[tilespmem:s28+$0xFFFFFEB0] =	vst v53;
	v53 =	vsel vm13, $0x0, v55;
	v55 =	vsub.s32 s0, v37  }
0xe2: {  	vm11 =	vgt.u32 v52, v38;
	v52 =	vld [tilespmem:s31+$0xFFFFFEC0];
	[tilespmem:s28+$0xFFFFFF30] =	vst v47;
	v47 =	vsel vm14, $0x0, v51;
	v51 =	vsub.s32 s1, v37  }
0xe3: {  	vm12 =	vgt.u32 v54, v38;
	v54 =	vld [tilespmem:s31+$0xFFFFFF40];
	[tilespmem:s28+$0xFFFFFFB0] =	vst v53;
	v49 =	vsel vm0, $0x0, v49;
	v53 =	vsub.s32 s11, v39  }
0xe4: {  	vm13 =	vgt.u32 v48, v38;
	v48 =	vld [tilespmem:s31+$0xFFFFFFC0];
	[tilespmem:s28+$0x30] =	vst v47;
	v47 =	vsel vm1, $0x0, v56;
	vm0 =	vgt.u32 v53, v40  }
0xe5: {  	vm14 =	vgt.u32 v55, v38;
	vm1 =	vgt.u32 v50, v38;
	v50 =	vld [tilespmem:s31+$0x40];
	[tilespmem:s28+$0xB0] =	vst v49;
	v49 =	vsel vm0, $0x0, v57  }
0xe6: {  	vm0 =	vgt.u32 v51, v38;
	v53 =	vsel vm11, $0x0, v58;
	v55 =	vld [tilespmem:s31+$0xC0];
	vm11 =	vgt.u32 v59, v38;
	[tilespmem:s28+$0x1D0] =	vst v49  }
0xe7: {  	v49 =	vsub.s32 s10, v39;
	v51 =	vsel vm12, $0x0, v52;
	v52 =	vsub.s32 s2, v39;
	[tilespmem:s28+$0x130] =	vst v47;
	v47 =	vld [tilespmem:s31+$0x1D4]  }
0xe8: {  	v56 =	vsub.s32 s9, v39;
	[tilespmem:s28+$0xFFFFFE40] =	vst v53;
	v53 =	vsel vm13, $0x0, v54;
	v54 =	vsub.s32 s8, v39;
	v57 =	vld [tilespmem:s31+$0x140]  }
0xe9: {  	v59 =	vsub.s32 s7, v39;
	v58 =	vld [tilespmem:s31+$0xFFFFFE50];
	[tilespmem:s28+$0xFFFFFEC0] =	vst v51;
	v48 =	vsel vm1, $0x0, v48;
	v51 =	vsub.s32 s0, v39  }
0xea: {  	v61 =	vsub.s32 s11, v41;
	v60 =	vld [tilespmem:s31+$0xFFFFFED0];
	[tilespmem:s28+$0xFFFFFF40] =	vst v53;
	v50 =	vsel vm14, $0x0, v50;
	v53 =	vsub.s32 s1, v39  }
0xeb: {  	vm1 =	vgt.u32 v49, v40;
	v49 =	vld [tilespmem:s31+$0xFFFFFF50];
	[tilespmem:s28+$0xFFFFFFC0] =	vst v48;
	v48 =	vsel vm11, $0x0, v55;
	vm11 =	vgt.u32 v61, v42  }
0xec: {  	vm12 =	vgt.u32 v52, v40;
	vm13 =	vgt.u32 v54, v40;
	v52 =	vld [tilespmem:s31+$0xFFFFFFD0];
	[tilespmem:s28+$0x40] =	vst v50;
	v47 =	vsel vm11, $0x0, v47  }
0xed: {  	vm14 =	vgt.u32 v51, v40;
	vm11 =	vgt.u32 v56, v40;
	v50 =	vld [tilespmem:s31+$0x50];
	v51 =	vsel vm0, $0x0, v57;
	[tilespmem:s28+$0x1D4] =	vst v47  }
0xee: {  	vm15 =	vgt.u32 v53, v40;
	v47 =	vsel vm1, $0x0, v58;
	[tilespmem:s28+$0xC0] =	vst v48;
	vm1 =	vgt.u32 v59, v40  }
0xef: {  	v54 =	vsub.s32 s2, v41;
	v48 =	vsub.s32 s10, v41;
	v53 =	vsel vm12, $0x0, v60;
	v55 =	vld [tilespmem:s31+$0xD0];
	[tilespmem:s28+$0x140] =	vst v51  }
0xf0: {  	v56 =	vsub.s32 s8, v41;
	v57 =	vsub.s32 s9, v41;
	[tilespmem:s28+$0xFFFFFE50] =	vst v47;
	v47 =	vsel vm13, $0x0, v49;
	v58 =	vld [tilespmem:s31+$0x150]  }
.Ltmp2:
0xf1: {  	v59 =	vsub.s32 s7, v41;
	v51 =	vld [tilespmem:s31+$0xFFFFFE54];
	[tilespmem:s28+$0xFFFFFED0] =	vst v53;
	v52 =	vsel vm11, $0x0, v52;
	v53 =	vsub.s32 s0, v41;
	(pc) =	sbr.rel @p2 .LBB2_3-.Ltmp2, $4  }
0xf2: {  	v60 =	vsub.s32 s1, v41;
	vm13 =	vgt.u32 v48, v42;
	v49 =	vld [tilespmem:s31+$0xFFFFFED4];
	[tilespmem:s28+$0xFFFFFF50] =	vst v47;
	v48 =	vsel vm14, $0x0, v50  }
0xf3: {  	vm12 =	vgt.u32 v54, v42;
	vm11 =	vgt.u32 v56, v42;
	vm14 =	vgt.u32 v57, v42;
	v50 =	vld [tilespmem:s31+$0xFFFFFF54];
	[tilespmem:s28+$0xFFFFFFD0] =	vst v52  }
0xf4: {  	vm0 =	vgt.u32 v53, v42;
	v47 =	vld [tilespmem:s31+$0xFFFFFFD4];
	[tilespmem:s28+$0x50] =	vst v48;
	v52 =	vsel vm1, $0x0, v55;
	vm1 =	vgt.u32 v59, v42  }
0xf5: {  	s31 =	sadd.s32 $0x400, s31;
	v48 =	vld [tilespmem:s26+$0x54];
	[tilespmem:s28+$0xD0] =	vst v52;
	v53 =	vsel vm15, $0x0, v58;
	vm15 =	vgt.u32 v60, v42;
	v52 =	vsel vm10, $0x0, v45  }
0xf6: {  	[tilespmem:s28+$0x150] =	vst v53  }
0xf7: {  	v45 =	vsel vm13, $0x0, v51;
	[tilespmem:s25+$0xFFFFFFD4] =	vst v52  }
0xf8: {  	v43 =	vsel vm9, $0x0, v43;
	[tilespmem:s28+$0xFFFFFE54] =	vst v45  }
0xf9: {  	v44 =	vsel vm8, $0x0, v44;
	[tilespmem:s25+$0x54] =	vst v43  }
0xfa: {  	v52 =	vld [tilespmem:s26+$0xD4];
	v46 =	vsel vm7, $0x0, v46;
	[tilespmem:s25+$0xD4] =	vst v44  }
0xfb: {  	v49 =	vsel vm12, $0x0, v49;
	v53 =	vld [tilespmem:s26+$0x154];
	[tilespmem:s25+$0x154] =	vst v46  }
0xfc: {  	vm8 =	vmmov vm14;
	[tilespmem:s28+$0xFFFFFED4] =	vst v49;
	v51 =	vsel vm11, $0x0, v50  }
0xfd: {  	vm0 =	vmmov vm0;
	[tilespmem:s28+$0xFFFFFF54] =	vst v51;
	v54 =	vsel vm8, $0x0, v47  }
0xfe: {  	vm1 =	vmmov vm1;
	v55 =	vsel vm0, $0x0, v48;
	[tilespmem:s29+$0xFFFFFFD4] =	vst v54  }
0xff: {  	s0 =	sshll.u32 s24, $0x4;
	vm0 =	vmmov vm15;
	v56 =	vsel vm1, $0x0, v52;
	[tilespmem:s29+$0x54] =	vst v55  }
0x100: {  	s23 =	sshll.u32 s23, $0xD;
	s0 =	sadd.s32 s6, s0;
	v43 =	vsel vm0, $0x0, v53;
	[tilespmem:s29+$0xD4] =	vst v56  }
0x101: {  	p2 =	seq.s32 s20, $0x1F;
	s0 =	sadd.s32 s23, s0;
	[tilespmem:s29+$0x154] =	vst v43  }
0x102: {  	[hbm4b:s0+s3] =	stream.linear.scatter [tilespmem:s14], [sflag:$0x3], $0x4000, $0x38;
	[tilespmem:$0x10200] =	vst v63  }
0x103: {  	s0 =	sadd.s32 @!p2 $0x2, s22  }
0x104: {  	s1 =	sshrl.u32 @!p2 s0, $0x2;
	s0 =	sshll.u32 @!p2 s0, $0xB  }
0x105: {  	s1 =	sadd.s32 @!p2 s4, s1;
	s0 =	sand.u32 @!p2 $0x1000, s0  }
0x106: {  	s1 =	sshll.u32 @!p2 s1, $0xD;
	s0 =	sadd.s32 @!p2 s5, s0  }
0x107: {  	s0 =	sadd.s32 @!p2 s1, s0;
	s1 =	simm.s32 @!p2 $0x0  }
0x108: {  	[tilespmem:s1], [sflag:$0x1] =	stream.linear.gather @!p2 [hbm4b:s0+s1], $0x4000, $0x38;
	[tilespmem:$0x10200] =	vst v63  }
0x109: {  	_ =	swait.ge [sflag:s15], $0x4000  }
0x10a: {  	[sflag:s15] =	ssyncset.done $0x0  }
0x10b: {  	s0 =	simm.s32 @!p1 $0x4;
	[sflag:s15] =	ssyncadd.s32 $0xFFFFC000  }
0x10c: {  	_ =	swait.ge @!p1 [sflag:s0], $0x4000  }
0x10d: {  	[sflag:s0] =	ssyncset.done @!p1 $0x0  }
0x10e: {  	s8 =	sadd.s32 $0xFFFFFFF8, s21;
	s29 =	simm.s32 $0x4200;
	[sflag:s0] =	ssyncadd.s32 @!p1 $0xFFFFC000  }
0x10f: {  	s2 =	sadd.s32 $0x88, s8;
	s11 =	sadd.s32 $0x8F, s8;
	s7 =	sadd.s32 $0x8A, s8;
	v43 =	vld [tilespmem:s29+$0x180]  }
0x110: {  	s9 =	sadd.s32 $0x8B, s8;
	s26 =	sadd.s32 $0x8C, s8;
	v57 =	vsub.s32 s2, v29;
	v59 =	vsub.s32 s11, v29;
	v60 =	vsub.s32 s7, v29;
	v45 =	vld [tilespmem:s29+$0xFFFFFE80]  }
0x111: {  	v61 =	vsub.s32 s9, v29;
	v63 =	vsub.s32 s26, v29;
	v49 =	vsub.s32 s7, v31;
	v48 =	vld [tilespmem:s29+$0xFFFFFF00]  }
0x112: {  	s10 =	sadd.s32 $0x8D, s8;
	vm7 =	vgt.u32 v60, v30;
	vm8 =	vgt.u32 v61, v30;
	vm9 =	vgt.u32 v63, v30;
	v51 =	vld [tilespmem:s29+$0xFFFFFF80]  }
0x113: {  	v54 =	vsub.s32 s10, v29;
	v55 =	vsub.s32 s26, v31;
	vm0 =	vgt.u32 v59, v30;
	s1 =	sadd.s32 $0x89, s8;
	v50 =	vld [tilespmem:s29+$0x100]  }
0x114: {  	v56 =	vsub.s32 s10, v31;
	s8 =	sadd.s32 $0x8E, s8;
	v58 =	vsub.s32 s1, v29;
	v63 =	vsub.s32 s1, v31;
	v44 =	vld [tilespmem:s29+$0xFFFFFE00]  }
0x115: {  	s25 =	simm.s32 $0xC200;
	vm1 =	vgt.u32 v58, v30;
	v58 =	vsub.s32 s8, v29;
	v62 =	vld [tilespmem:s29+$0x0];
	v43 =	vsel vm0, $0x0, v43  }
0x116: {  	vm10 =	vgt.u32 v58, v30;
	vm0 =	vgt.u32 v57, v30;
	v57 =	vld [tilespmem:s29+$0x80];
	v59 =	vsel vm1, $0x0, v45;
	[tilespmem:s25+$0x180] =	vst v43  }
0x117: {  	v60 =	vsel vm7, $0x0, v48;
	v61 =	vsel vm8, $0x0, v51;
	v51 =	vsub.s32 s2, v31;
	[tilespmem:s25+$0xFFFFFE80] =	vst v59;
	v43 =	vld [tilespmem:s29+$0x190]  }
0x118: {  	v50 =	vsel vm10, $0x0, v50;
	vm1 =	vgt.u32 v63, v32;
	vm7 =	vgt.u32 v49, v32;
	[tilespmem:s25+$0xFFFFFF00] =	vst v60;
	v52 =	vld [tilespmem:s29+$0xFFFFFE90]  }
0x119: {  	v44 =	vsel vm0, $0x0, v44;
	vm0 =	vgt.u32 v54, v30;
	[tilespmem:s25+$0xFFFFFF80] =	vst v61;
	v60 =	vsub.s32 s9, v31;
	v46 =	vld [tilespmem:s29+$0xFFFFFF10]  }
0x11a: {  	v54 =	vsub.s32 s11, v35;
	[tilespmem:s25+$0xFFFFFE00] =	vst v44;
	v44 =	vsel vm9, $0x0, v62;
	v62 =	vsub.s32 s11, v31;
	v61 =	vld [tilespmem:s29+$0xFFFFFF90]  }
0x11b: {  	vm8 =	vgt.u32 v60, v32;
	v48 =	vld [tilespmem:s29+$0xFFFFFE10];
	[tilespmem:s25+$0x0] =	vst v44;
	v45 =	vsel vm0, $0x0, v57;
	vm0 =	vgt.u32 v62, v32  }
0x11c: {  	vm9 =	vgt.u32 v55, v32;
	v47 =	vld [tilespmem:s29+$0x10];
	v62 =	vsub.s32 s8, v31;
	[tilespmem:s25+$0x80] =	vst v45;
	v43 =	vsel vm0, $0x0, v43  }
0x11d: {  	v60 =	vsub.s32 s11, v33;
	vm10 =	vgt.u32 v62, v32;
	v62 =	vsub.s32 s1, v33;
	v57 =	vld [tilespmem:s29+$0x90];
	[tilespmem:s25+$0x190] =	vst v43  }
0x11e: {  	[tilespmem:s25+$0x100] =	vst v50;
	v45 =	vsub.s32 s7, v33;
	vm0 =	vgt.u32 v51, v32;
	v58 =	vsel vm1, $0x0, v52;
	v63 =	vld [tilespmem:s29+$0x1A0]  }
0x11f: {  	v59 =	vsel vm7, $0x0, v46;
	v46 =	vld [tilespmem:s29+$0x110];
	v51 =	vsub.s32 s2, v33;
	v61 =	vsel vm8, $0x0, v61;
	[tilespmem:s25+$0xFFFFFE90] =	vst v58  }
0x120: {  	vm1 =	vgt.u32 v60, v34;
	v60 =	vsub.s32 s8, v33;
	v55 =	vsel vm0, $0x0, v48;
	[tilespmem:s25+$0xFFFFFF10] =	vst v59;
	v49 =	vld [tilespmem:s29+$0xFFFFFEA0]  }
0x121: {  	vm7 =	vgt.u32 v45, v34;
	v52 =	vsub.s32 s1, v35;
	vm0 =	vgt.u32 v56, v32;
	[tilespmem:s25+$0xFFFFFE10] =	vst v55;
	v53 =	vld [tilespmem:s29+$0xFFFFFF20]  }
0x122: {  	[tilespmem:s25+$0xFFFFFF90] =	vst v61;
	vm11 =	vgt.u32 v60, v34;
	v60 =	vsub.s32 s26, v35;
	v47 =	vsel vm9, $0x0, v47;
	v50 =	vld [tilespmem:s29+$0xFFFFFE20]  }
0x123: {  	[tilespmem:s25+$0x10] =	vst v47;
	v44 =	vsel vm1, $0x0, v63;
	v63 =	vsub.s32 s9, v33;
	vm1 =	vgt.u32 v62, v34;
	v62 =	vld [tilespmem:s29+$0xFFFFFFA0]  }
0x124: {  	v55 =	vsub.s32 s26, v33;
	v43 =	vsel vm0, $0x0, v57;
	[tilespmem:s25+$0x1A0] =	vst v44;
	vm8 =	vgt.u32 v63, v34;
	v63 =	vld [tilespmem:s29+$0x20]  }
0x125: {  	vm9 =	vgt.u32 v55, v34;
	v47 =	vsub.s32 s9, v35;
	v46 =	vsel vm10, $0x0, v46;
	[tilespmem:s25+$0x90] =	vst v43;
	v61 =	vld [tilespmem:s29+$0x1B0]  }
0x126: {  	vm0 =	vgt.u32 v51, v34;
	[tilespmem:s25+$0x110] =	vst v46;
	v46 =	vsub.s32 s9, v37;
	v43 =	vld [tilespmem:s29+$0xA0];
	v58 =	vsel vm7, $0x0, v53  }
0x127: {  	v48 =	vld [tilespmem:s29+$0x120];
	v53 =	vsub.s32 s7, v35;
	v44 =	vsub.s32 s10, v33;
	v55 =	vsel vm0, $0x0, v50;
	[tilespmem:s25+$0xFFFFFF20] =	vst v58  }
0x128: {  	v57 =	vsel vm1, $0x0, v49;
	vm0 =	vgt.u32 v54, v36;
	vm1 =	vgt.u32 v52, v36;
	[tilespmem:s25+$0xFFFFFE20] =	vst v55;
	v58 =	vld [tilespmem:s29+$0xFFFFFF30]  }
0x129: {  	vm7 =	vgt.u32 v53, v36;
	vm10 =	vgt.u32 v44, v34;
	[tilespmem:s25+$0xFFFFFEA0] =	vst v57;
	v50 =	vld [tilespmem:s29+$0xFFFFFE30];
	v45 =	vsel vm9, $0x0, v63  }
0x12a: {  	v44 =	vsub.s32 s2, v35;
	v57 =	vsub.s32 s1, v37;
	v55 =	vld [tilespmem:s29+$0xFFFFFEB0];
	v59 =	vsel vm0, $0x0, v61;
	[tilespmem:s25+$0x20] =	vst v45  }
0x12b: {  	v51 =	vsel vm8, $0x0, v62;
	v43 =	vsel vm10, $0x0, v43;
	vm8 =	vgt.u32 v47, v36;
	[tilespmem:s25+$0x1B0] =	vst v59;
	v47 =	vld [tilespmem:s29+$0x30]  }
0x12c: {  	v62 =	vsub.s32 s10, v35;
	v48 =	vsel vm11, $0x0, v48;
	v63 =	vsub.s32 s8, v35;
	[tilespmem:s25+$0xFFFFFFA0] =	vst v51;
	v61 =	vld [tilespmem:s29+$0x1C0]  }
0x12d: {  	vm9 =	vgt.u32 v60, v36;
	[tilespmem:s25+$0xA0] =	vst v43;
	vm10 =	vgt.u32 v62, v36;
	vm0 =	vgt.u32 v44, v36;
	v51 =	vld [tilespmem:s29+$0xFFFFFFB0]  }
0x12e: {  	[tilespmem:s25+$0x120] =	vst v48;
	v62 =	vsub.s32 s2, v37;
	v45 =	vld [tilespmem:s29+$0xB0];
	v58 =	vsel vm7, $0x0, v58;
	v60 =	vsel vm0, $0x0, v50  }
0x12f: {  	v52 =	vld [tilespmem:s29+$0x130];
	v59 =	vsub.s32 s11, v37;
	vm0 =	vgt.u32 v63, v36;
	v63 =	vsel vm1, $0x0, v55;
	[tilespmem:s25+$0xFFFFFE30] =	vst v60  }
0x130: {  	vm1 =	vgt.u32 v62, v38;
	vm11 =	vgt.u32 v59, v38;
	[tilespmem:s25+$0xFFFFFEB0] =	vst v63;
	v54 =	vld [tilespmem:s29+$0xFFFFFE40];
	v62 =	vsel vm9, $0x0, v47  }
0x131: {  	vm7 =	vgt.u32 v57, v38;
	v57 =	vsub.s32 s11, v39;
	v48 =	vld [tilespmem:s29+$0xFFFFFEC0];
	v61 =	vsel vm11, $0x0, v61;
	[tilespmem:s25+$0x30] =	vst v62  }
0x132: {  	v55 =	vsub.s32 s10, v37;
	v50 =	vsub.s32 s7, v39;
	vm9 =	vgt.u32 v46, v38;
	[tilespmem:s25+$0x1C0] =	vst v61;
	v46 =	vld [tilespmem:s29+$0x40]  }
0x133: {  	[tilespmem:s25+$0xFFFFFF30] =	vst v58;
	v59 =	vsub.s32 s7, v37;
	v63 =	vsub.s32 s8, v37;
	v60 =	vsel vm8, $0x0, v51;
	v53 =	vld [tilespmem:s29+$0x1D0]  }
0x134: {  	v56 =	vld [tilespmem:s29+$0xFFFFFF40];
	v45 =	vsel vm10, $0x0, v45;
	vm8 =	vgt.u32 v59, v38;
	[tilespmem:s25+$0xFFFFFFB0] =	vst v60;
	v61 =	vsub.s32 s26, v37  }
0x135: {  	v59 =	vsel vm0, $0x0, v52;
	[tilespmem:s25+$0xB0] =	vst v45;
	v58 =	vld [tilespmem:s29+$0xFFFFFFC0];
	vm10 =	vgt.u32 v61, v38;
	v61 =	vsel vm1, $0x0, v54  }
0x136: {  	vm0 =	vgt.u32 v57, v40;
	v52 =	vsub.s32 s9, v39;
	v57 =	vsub.s32 s11, v41;
	v51 =	vld [tilespmem:s29+$0xC0];
	[tilespmem:s25+$0xFFFFFE40] =	vst v61  }
0x137: {  	v45 =	vsub.s32 s2, v39;
	[tilespmem:s25+$0x130] =	vst v59;
	v47 =	vsub.s32 s26, v39;
	v62 =	vsel vm7, $0x0, v48;
	v54 =	vld [tilespmem:s29+$0xFFFFFE50]  }
0x138: {  	v48 =	vsub.s32 s1, v39;
	[tilespmem:s25+$0xFFFFFEC0] =	vst v62;
	v46 =	vsel vm10, $0x0, v46;
	v60 =	vsel vm0, $0x0, v53;
	v53 =	vld [tilespmem:s29+$0x140]  }
0x139: {  	vm7 =	vgt.u32 v45, v40;
	vm0 =	vgt.u32 v63, v38;
	v63 =	vsel vm8, $0x0, v56;
	v56 =	vld [tilespmem:s29+$0xFFFFFED0];
	[tilespmem:s25+$0x40] =	vst v46  }
0x13a: {  	vm1 =	vgt.u32 v55, v38;
	v55 =	vsub.s32 s10, v41;
	v61 =	vsub.s32 s8, v39;
	[tilespmem:s25+$0x1D0] =	vst v60;
	v46 =	vld [tilespmem:s29+$0x50]  }
0x13b: {  	v44 =	vsel vm9, $0x0, v58;
	vm9 =	vgt.u32 v50, v40;
	vm10 =	vgt.u32 v47, v40;
	[tilespmem:s25+$0xFFFFFF40] =	vst v63;
	v43 =	vld [tilespmem:s29+$0x1D4]  }
0x13c: {  	vm8 =	vgt.u32 v48, v40;
	v60 =	vsub.s32 s10, v39;
	v63 =	vsel vm1, $0x0, v51;
	v62 =	vld [tilespmem:s29+$0xFFFFFF50]  }
0x13d: {  	[tilespmem:s25+$0xFFFFFFC0] =	vst v44;
	vm1 =	vgt.u32 v57, v42;
	v51 =	vsub.s32 s1, v41;
	v59 =	vsel vm7, $0x0, v54  }
0x13e: {  	v57 =	vld [tilespmem:s29+$0xFFFFFFD0];
	[tilespmem:s25+$0xC0] =	vst v63;
	vm7 =	vgt.u32 v61, v40;
	vm11 =	vgt.u32 v51, v42;
	v58 =	vsel vm0, $0x0, v53  }
0x13f: {  	v49 =	vld [tilespmem:s29+$0xD0];
	[tilespmem:s25+$0xFFFFFE50] =	vst v59;
	vm0 =	vgt.u32 v60, v40;
	v60 =	vsub.s32 s2, v41;
	v53 =	vsub.s32 s9, v41  }
0x140: {  	v54 =	vld [tilespmem:s29+$0xFFFFFE54];
	v61 =	vsel vm8, $0x0, v56;
	[tilespmem:s25+$0x140] =	vst v58;
	v46 =	vsel vm10, $0x0, v46;
	vm8 =	vgt.u32 v53, v42  }
0x141: {  	[tilespmem:s25+$0xFFFFFED0] =	vst v61;
	v43 =	vsel vm1, $0x0, v43;
	vm1 =	vgt.u32 v52, v40;
	v44 =	vld [tilespmem:s29+$0x150];
	v45 =	vsel vm9, $0x0, v62  }
0x142: {  	v52 =	vsub.s32 s7, v41;
	v62 =	vsub.s32 s26, v41;
	v63 =	vld [tilespmem:s29+$0xFFFFFED4];
	s26 =	simm.s32 $0x4600;
	vm10 =	vmmov vm8  }
0x143: {  	[tilespmem:s25+$0x50] =	vst v46;
	v48 =	vsel vm1, $0x0, v57;
	vm1 =	vgt.u32 v60, v42;
	v60 =	vsub.s32 s8, v41;
	v47 =	vld [tilespmem:s26+$0x180]  }
0x144: {  	vm12 =	vgt.u32 v52, v42;
	vm9 =	vgt.u32 v62, v42;
	v62 =	vsel vm0, $0x0, v49;
	[tilespmem:s25+$0x1D4] =	vst v43;
	s8 =	sadd.s32 $0x0, s21;
	v43 =	vld [tilespmem:s26+$0xFFFFFE00]  }
0x145: {  	[tilespmem:s25+$0xFFFFFF50] =	vst v45;
	vm0 =	vgt.u32 v55, v42;
	v50 =	vld [tilespmem:s26+$0xFFFFFE80];
	v49 =	vsel vm1, $0x0, v54;
	vm9 =	vmmov vm9;
	s2 =	sadd.s32 $0x88, s8;
	s0 =	sadd.s32 $0x89, s8  }
0x146: {  	v56 =	vld [tilespmem:s26+$0xFFFFFF80];
	[tilespmem:s25+$0xFFFFFFD0] =	vst v48;
	vm8 =	vmmov vm0;
	s1 =	sadd.s32 $0x8C, s8;
	s10 =	sadd.s32 $0x8D, s8;
	v52 =	vsub.s32 s2, v29;
	v53 =	vsub.s32 s0, v29  }
0x147: {  	v61 =	vld [tilespmem:s29+$0xFFFFFF54];
	[tilespmem:s25+$0xD0] =	vst v62;
	v62 =	vsub.s32 s1, v29;
	v58 =	vsub.s32 s10, v29;
	vm1 =	vgt.u32 v53, v30  }
0x148: {  	s11 =	sadd.s32 $0x8F, s8;
	s7 =	sadd.s32 $0x8A, s8;
	v54 =	vld [tilespmem:s26+$0xFFFFFF00];
	[tilespmem:s25+$0xFFFFFE54] =	vst v49;
	vm13 =	vgt.u32 v62, v30;
	v44 =	vsel vm7, $0x0, v44;
	vm7 =	vgt.u32 v60, v42  }
0x149: {  	v48 =	vld [tilespmem:s26+$0x100];
	v46 =	vsel vm11, $0x0, v63;
	v63 =	vsub.s32 s11, v29;
	v60 =	vsub.s32 s7, v29;
	[tilespmem:s25+$0x150] =	vst v44  }
0x14a: {  	s28 =	simm.s32 $0xC600;
	s9 =	sadd.s32 $0x8B, s8;
	s8 =	sadd.s32 $0x8E, s8;
	v45 =	vld [tilespmem:s29+$0xFFFFFFD4];
	vm0 =	vgt.u32 v63, v30;
	vm11 =	vgt.u32 v60, v30;
	[tilespmem:s25+$0xFFFFFED4] =	vst v46;
	v60 =	vsel vm1, $0x0, v50  }
0x14b: {  	vm7 =	vmmov vm7;
	v44 =	vld [tilespmem:s26+$0x0];
	v63 =	vsub.s32 s8, v29;
	v47 =	vsel vm0, $0x0, v47;
	[tilespmem:s28+$0xFFFFFE80] =	vst v60  }
0x14c: {  	v51 =	vsel vm12, $0x0, v61;
	v61 =	vsub.s32 s9, v29;
	vm0 =	vgt.u32 v52, v30;
	v52 =	vld [tilespmem:s26+$0x80];
	[tilespmem:s28+$0x180] =	vst v47  }
0x14d: {  	vm14 =	vgt.u32 v63, v30;
	v63 =	vsub.s32 s11, v31;
	v59 =	vsel vm0, $0x0, v43;
	v55 =	vld [tilespmem:s26+$0xFFFFFE90];
	[tilespmem:s25+$0xFFFFFF54] =	vst v51  }
0x14e: {  	vm12 =	vgt.u32 v61, v30;
	vm0 =	vgt.u32 v58, v30;
	v61 =	vsel vm11, $0x0, v54;
	v47 =	vld [tilespmem:s26+$0x190];
	[tilespmem:s28+$0xFFFFFE00] =	vst v59  }
0x14f: {  	v54 =	vsub.s32 s2, v31;
	v48 =	vsel vm14, $0x0, v48;
	v51 =	vsub.s32 s2, v37;
	[tilespmem:s28+$0xFFFFFF00] =	vst v61;
	v53 =	vld [tilespmem:s26+$0xFFFFFE10]  }
0x150: {  	v62 =	vsel vm12, $0x0, v56;
	v56 =	vsub.s32 s0, v31;
	v61 =	vsub.s32 s7, v31;
	[tilespmem:s28+$0x100] =	vst v48;
	v46 =	vld [tilespmem:s26+$0xFFFFFF10]  }
0x151: {  	v59 =	vsub.s32 s10, v31;
	[tilespmem:s28+$0xFFFFFF80] =	vst v62;
	v62 =	vsub.s32 s9, v31;
	v48 =	vld [tilespmem:s26+$0x110];
	v44 =	vsel vm13, $0x0, v44  }
0x152: {  	vm1 =	vgt.u32 v56, v32;
	v57 =	vld [tilespmem:s26+$0xFFFFFF90];
	v60 =	vsel vm0, $0x0, v52;
	vm0 =	vgt.u32 v63, v32;
	[tilespmem:s28+$0x0] =	vst v44  }
0x153: {  	v56 =	vsub.s32 s8, v31;
	vm11 =	vgt.u32 v61, v32;
	v50 =	vld [tilespmem:s26+$0x10];
	[tilespmem:s28+$0x80] =	vst v60;
	v47 =	vsel vm0, $0x0, v47  }
0x154: {  	vm12 =	vgt.u32 v62, v32;
	v61 =	vsel vm1, $0x0, v55;
	vm0 =	vgt.u32 v54, v32;
	v60 =	vld [tilespmem:s26+$0x90];
	[tilespmem:s28+$0x190] =	vst v47  }
0x155: {  	vm14 =	vgt.u32 v56, v32;
	v62 =	vsub.s32 s11, v33;
	[tilespmem:s28+$0xFFFFFE90] =	vst v61;
	v58 =	vsel vm0, $0x0, v53;
	v47 =	vld [tilespmem:s26+$0x1A0]  }
0x156: {  	v43 =	vld [tilespmem:s29+$0x54];
	v63 =	vsub.s32 s1, v31;
	v52 =	vsub.s32 s8, v39;
	v46 =	vsel vm11, $0x0, v46;
	[tilespmem:s28+$0xFFFFFE10] =	vst v58  }
0x157: {  	vm13 =	vgt.u32 v63, v32;
	vm1 =	vgt.u32 v62, v34;
	v63 =	vsel vm12, $0x0, v57;
	[tilespmem:s28+$0xFFFFFF10] =	vst v46;
	v53 =	vld [tilespmem:s26+$0xFFFFFE20]  }
0x158: {  	v54 =	vsub.s32 s2, v33;
	vm0 =	vgt.u32 v59, v32;
	v49 =	vld [tilespmem:s26+$0xFFFFFEA0];
	v48 =	vsel vm14, $0x0, v48;
	[tilespmem:s28+$0xFFFFFF90] =	vst v63  }
0x159: {  	[tilespmem:s28+$0x110] =	vst v48;
	v50 =	vsel vm13, $0x0, v50;
	v60 =	vsel vm0, $0x0, v60;
	vm0 =	vgt.u32 v54, v34;
	v54 =	vld [tilespmem:s26+$0xFFFFFFA0]  }
0x15a: {  	v55 =	vsub.s32 s0, v33;
	v46 =	vsub.s32 s7, v33;
	v56 =	vld [tilespmem:s26+$0xFFFFFF20];
	[tilespmem:s28+$0x10] =	vst v50;
	v47 =	vsel vm1, $0x0, v47  }
0x15b: {  	v57 =	vsub.s32 s9, v33;
	v58 =	vsub.s32 s1, v33;
	vm11 =	vgt.u32 v46, v34;
	v46 =	vld [tilespmem:s26+$0x20];
	[tilespmem:s28+$0x1A0] =	vst v47  }
0x15c: {  	vm13 =	vgt.u32 v58, v34;
	[tilespmem:s28+$0x90] =	vst v60;
	vm1 =	vgt.u32 v55, v34;
	v58 =	vsel vm0, $0x0, v53;
	v63 =	vld [tilespmem:s26+$0x1B0]  }
0x15d: {  	v62 =	vsub.s32 s8, v33;
	vm12 =	vgt.u32 v57, v34;
	v50 =	vld [tilespmem:s26+$0xA0];
	v60 =	vsel vm1, $0x0, v49;
	[tilespmem:s28+$0xFFFFFE20] =	vst v58  }
0x15e: {  	v61 =	vsub.s32 s10, v33;
	vm15 =	vgt.u32 v62, v34;
	v49 =	vld [tilespmem:s26+$0x120];
	[tilespmem:s28+$0xFFFFFEA0] =	vst v60;
	v54 =	vsel vm12, $0x0, v54  }
0x15f: {  	vm14 =	vgt.u32 v61, v34;
	v57 =	vsub.s32 s11, v35;
	v61 =	vsel vm11, $0x0, v56;
	v53 =	vld [tilespmem:s26+$0xFFFFFE30];
	[tilespmem:s28+$0xFFFFFFA0] =	vst v54  }
0x160: {  	v48 =	vsub.s32 s9, v35;
	vm0 =	vgt.u32 v57, v36;
	[tilespmem:s28+$0xFFFFFF20] =	vst v61;
	v46 =	vsel vm13, $0x0, v46;
	v54 =	vld [tilespmem:s26+$0xFFFFFFB0]  }
0x161: {  	v47 =	vsub.s32 s2, v35;
	v58 =	vld [tilespmem:s26+$0xFFFFFEB0];
	[tilespmem:s28+$0x20] =	vst v46;
	v62 =	vsel vm0, $0x0, v63;
	v63 =	vsub.s32 s0, v35  }
0x162: {  	v56 =	vsub.s32 s7, v35;
	v50 =	vsel vm14, $0x0, v50;
	[tilespmem:s28+$0x1B0] =	vst v62;
	vm1 =	vgt.u32 v63, v36;
	v63 =	vld [tilespmem:s26+$0xFFFFFF30]  }
0x163: {  	v60 =	vsub.s32 s1, v35;
	v49 =	vsel vm15, $0x0, v49;
	[tilespmem:s28+$0xA0] =	vst v50;
	vm0 =	vgt.u32 v47, v36;
	v57 =	vld [tilespmem:s26+$0x1C0]  }
0x164: {  	vm12 =	vgt.u32 v48, v36;
	vm13 =	vgt.u32 v60, v36;
	v48 =	vld [tilespmem:s26+$0x30];
	[tilespmem:s28+$0x120] =	vst v49;
	v60 =	vsel vm0, $0x0, v53  }
0x165: {  	v61 =	vsub.s32 s10, v35;
	vm11 =	vgt.u32 v56, v36;
	v50 =	vld [tilespmem:s26+$0xB0];
	[tilespmem:s28+$0xFFFFFE30] =	vst v60;
	v60 =	vsel vm12, $0x0, v54  }
0x166: {  	v56 =	vsub.s32 s11, v37;
	vm14 =	vgt.u32 v61, v36;
	v47 =	vsub.s32 s7, v37;
	v55 =	vld [tilespmem:s26+$0x130];
	[tilespmem:s28+$0xFFFFFFB0] =	vst v60  }
0x167: {  	vm15 =	vgt.u32 v56, v38;
	vm12 =	vgt.u32 v47, v38;
	v47 =	vld [tilespmem:s26+$0xFFFFFFC0];
	v63 =	vsel vm11, $0x0, v63  }
0x168: {  	v62 =	vsub.s32 s8, v35;
	v53 =	vsub.s32 s0, v37;
	v61 =	vsel vm15, $0x0, v57;
	v57 =	vld [tilespmem:s26+$0xFFFFFE40];
	[tilespmem:s28+$0xFFFFFF30] =	vst v63  }
0x169: {  	vm0 =	vgt.u32 v62, v36;
	v62 =	vsel vm1, $0x0, v58;
	vm11 =	vgt.u32 v53, v38;
	[tilespmem:s28+$0x1C0] =	vst v61;
	v53 =	vld [tilespmem:s26+$0xFFFFFF40]  }
0x16a: {  	v59 =	vsub.s32 s11, v39;
	v49 =	vsub.s32 s9, v37;
	[tilespmem:s28+$0xFFFFFEB0] =	vst v62;
	v62 =	vsel vm13, $0x0, v48;
	v56 =	vld [tilespmem:s26+$0x1D0]  }
0x16b: {  	v58 =	vsub.s32 s10, v37;
	vm1 =	vgt.u32 v51, v38;
	v51 =	vld [tilespmem:s26+$0xFFFFFEC0];
	v50 =	vsel vm14, $0x0, v50;
	[tilespmem:s28+$0x30] =	vst v62  }
0x16c: {  	vm13 =	vgt.u32 v49, v38;
	v48 =	vsub.s32 s2, v39;
	v60 =	vsel vm0, $0x0, v55;
	v49 =	vld [tilespmem:s26+$0x40];
	[tilespmem:s28+$0xB0] =	vst v50  }
0x16d: {  	v44 =	vld [tilespmem:s29+$0xD4];
	vm0 =	vgt.u32 v59, v40;
	v55 =	vsub.s32 s9, v39;
	[tilespmem:s28+$0x130] =	vst v60;
	v47 =	vsel vm13, $0x0, v47  }
0x16e: {  	v63 =	vsub.s32 s8, v37;
	v54 =	vld [tilespmem:s26+$0xC0];
	v61 =	vsub.s32 s1, v37;
	[tilespmem:s28+$0xFFFFFFC0] =	vst v47;
	v62 =	vsel vm1, $0x0, v57  }
0x16f: {  	vm14 =	vgt.u32 v61, v38;
	[tilespmem:s28+$0xFFFFFE40] =	vst v62;
	v60 =	vsel vm12, $0x0, v53;
	v61 =	vsel vm0, $0x0, v56;
	v56 =	vld [tilespmem:s26+$0x140]  }
0x170: {  	v50 =	vsub.s32 s1, v39;
	vm0 =	vgt.u32 v63, v38;
	v63 =	vsel vm11, $0x0, v51;
	v57 =	vld [tilespmem:s26+$0xFFFFFE50];
	[tilespmem:s28+$0xFFFFFF40] =	vst v60  }
0x171: {  	vm15 =	vgt.u32 v52, v40;
	v49 =	vsel vm14, $0x0, v49;
	vm11 =	vgt.u32 v48, v40;
	[tilespmem:s28+$0xFFFFFEC0] =	vst v63;
	v48 =	vld [tilespmem:s26+$0xFFFFFF50]  }
0x172: {  	vm14 =	vgt.u32 v50, v40;
	vm1 =	vgt.u32 v58, v38;
	v58 =	vsub.s32 s10, v39;
	[tilespmem:s28+$0x1D0] =	vst v61;
	v59 =	vld [tilespmem:s26+$0xFFFFFED0]  }
0x173: {  	[tilespmem:s28+$0x40] =	vst v49;
	v53 =	vsub.s32 s7, v39;
	v47 =	vsel vm1, $0x0, v54;
	vm2 =	vgt.u32 v58, v40;
	v46 =	vld [tilespmem:s26+$0x1D4]  }
0x174: {  	v54 =	vld [tilespmem:s26+$0x50];
	v58 =	vsub.s32 s9, v41;
	v51 =	vsub.s32 s0, v39;
	v60 =	vsub.s32 s11, v41  }
0x175: {  	vm13 =	vgt.u32 v53, v40;
	[tilespmem:s28+$0xC0] =	vst v47;
	v47 =	vsub.s32 s2, v41;
	v61 =	vld [tilespmem:s26+$0xFFFFFFD0];
	v62 =	vsel vm0, $0x0, v56  }
0x176: {  	v53 =	vsub.s32 s1, v41;
	vm12 =	vgt.u32 v51, v40;
	v63 =	vsel vm11, $0x0, v57;
	v56 =	vld [tilespmem:s26+$0xD0];
	[tilespmem:s28+$0x140] =	vst v62  }
0x177: {  	vm1 =	vgt.u32 v60, v42;
	[tilespmem:s28+$0xFFFFFE50] =	vst v63;
	v48 =	vsel vm13, $0x0, v48;
	v60 =	vsel vm12, $0x0, v59;
	v59 =	vld [tilespmem:s26+$0x150]  }
0x178: {  	v57 =	vsub.s32 s7, v41;
	vm0 =	vgt.u32 v53, v42;
	v46 =	vsel vm1, $0x0, v46;
	v51 =	vld [tilespmem:s26+$0xFFFFFE54];
	[tilespmem:s28+$0xFFFFFF50] =	vst v48  }
0x179: {  	vm13 =	vgt.u32 v47, v42;
	v62 =	vsub.s32 s8, v41;
	vm1 =	vgt.u32 v55, v40;
	[tilespmem:s28+$0x1D4] =	vst v46;
	v46 =	vld [tilespmem:s29+$0x154]  }
0x17a: {  	vm11 =	vgt.u32 v57, v42;
	v55 =	vsub.s32 s0, v41;
	[tilespmem:s28+$0xFFFFFED0] =	vst v60;
	v52 =	vsel vm1, $0x0, v61;
	v50 =	vld [tilespmem:s26+$0xFFFFFF54]  }
0x17b: {  	v60 =	vsub.s32 s10, v41;
	v61 =	vsel vm14, $0x0, v54;
	vm12 =	vgt.u32 v55, v42;
	v49 =	vld [tilespmem:s26+$0xFFFFFED4];
	[tilespmem:s28+$0xFFFFFFD0] =	vst v52  }
0x17c: {  	s24 =	sor.u32 $0x80, s24;
	vm14 =	vgt.u32 v58, v42;
	[tilespmem:s28+$0x50] =	vst v61;
	vm1 =	vgt.u32 v60, v42;
	v47 =	vld [tilespmem:s26+$0xFFFFFFD4];
	v63 =	vsel vm2, $0x0, v56  }
0x17d: {  	s30 =	simm.s32 $0x8;
	s31 =	simm.s32 $0x4A00;
	s29 =	simm.s32 $0xC600;
	v52 =	vsel vm10, $0x0, v45;
	v48 =	vld [tilespmem:s26+$0x54];
	[tilespmem:s28+$0xD0] =	vst v63;
	v53 =	vsel vm15, $0x0, v59;
	vm15 =	vgt.u32 v62, v42  }
.LBB2_5:
0x17e: {  	v45 =	vsel vm13, $0x0, v51;
	v51 =	vsel vm9, $0x0, v43;
	v44 =	vsel vm8, $0x0, v44  }
0x17f: {  	v54 =	vld [tilespmem:s31+$0x180];
	[tilespmem:s28+$0x150] =	vst v53;
	vm10 =	vmmov vm14;
	vm9 =	vmmov vm0;
	vm8 =	vmmov vm1;
	s0 =	smov.u32 s30;
	s30 =	sadd.s32 $0x8, s30  }
0x180: {  	v46 =	vsel vm7, $0x0, v46;
	vm7 =	vmmov vm15;
	s1 =	sadd.s32 s0, s21;
	v53 =	vld [tilespmem:s31+$0xFFFFFE00];
	p1 =	slt.u32 s30, $0x78;
	[tilespmem:s28+$0xFFFFFE54] =	vst v45;
	v43 =	vsel vm12, $0x0, v49  }
0x181: {  	s10 =	sadd.s32 $0x88, s1;
	s2 =	sadd.s32 $0x89, s1;
	v49 =	vld [tilespmem:s31+$0xFFFFFE80];
	s11 =	sadd.s32 $0x8F, s1;
	[tilespmem:s28+$0xFFFFFED4] =	vst v43;
	v60 =	vsel vm11, $0x0, v50  }
0x182: {  	s8 =	sadd.s32 $0x8A, s1;
	s9 =	sadd.s32 $0x8B, s1;
	s0 =	sadd.s32 $0x8C, s1;
	v50 =	vsub.s32 s10, v29;
	v55 =	vsub.s32 s2, v29;
	v56 =	vld [tilespmem:s31+$0xFFFFFF00];
	v57 =	vsub.s32 s11, v29;
	v45 =	vmovc v47  }
0x183: {  	s7 =	sadd.s32 $0x8D, s1;
	s1 =	sadd.s32 $0x8E, s1;
	v47 =	vsub.s32 s8, v29;
	v59 =	vsub.s32 s9, v29;
	v58 =	vld [tilespmem:s31+$0xFFFFFF80];
	vm0 =	vgt.u32 v57, v30;
	[tilespmem:s28+$0xFFFFFF54] =	vst v60;
	v43 =	vmovc v48  }
0x184: {  	v57 =	vsub.s32 s0, v29;
	v60 =	vsub.s32 s7, v29;
	s28 =	sadd.s32 $0x400, s28;
	v48 =	vld [tilespmem:s31+$0x0];
	v54 =	vsel vm0, $0x0, v54;
	[tilespmem:s25+$0xFFFFFFD4] =	vst v52  }
0x185: {  	vm1 =	vgt.u32 v55, v30;
	vm0 =	vgt.u32 v50, v30;
	v52 =	vsub.s32 s1, v29;
	v50 =	vld [tilespmem:s31+$0x80];
	[tilespmem:s28+$0x180] =	vst v54  }
0x186: {  	vm2 =	vgt.u32 v47, v30;
	vm11 =	vgt.u32 v59, v30;
	vm12 =	vgt.u32 v57, v30;
	v47 =	vld [tilespmem:s31+$0x190];
	[tilespmem:s25+$0x54] =	vst v51  }
0x187: {  	vm13 =	vgt.u32 v52, v30;
	v51 =	vsel vm0, $0x0, v53;
	vm0 =	vgt.u32 v60, v30;
	v53 =	vld [tilespmem:s31+$0x100];
	[tilespmem:s25+$0xD4] =	vst v44  }
0x188: {  	v49 =	vsel vm1, $0x0, v49;
	[tilespmem:s28+$0xFFFFFE00] =	vst v51;
	v51 =	vsel vm2, $0x0, v56;
	v52 =	vsel vm11, $0x0, v58;
	v44 =	vld [tilespmem:s26+$0xD4]  }
0x189: {  	v55 =	vsub.s32 s10, v31;
	v54 =	vld [tilespmem:s31+$0xFFFFFE10];
	[tilespmem:s28+$0xFFFFFE80] =	vst v49;
	v48 =	vsel vm12, $0x0, v48;
	v49 =	vsub.s32 s11, v31  }
0x18a: {  	v57 =	vsub.s32 s2, v31;
	v56 =	vld [tilespmem:s31+$0xFFFFFE90];
	[tilespmem:s28+$0xFFFFFF00] =	vst v51;
	v50 =	vsel vm0, $0x0, v50;
	vm0 =	vgt.u32 v49, v32  }
0x18b: {  	v51 =	vsub.s32 s8, v31;
	v49 =	vld [tilespmem:s31+$0xFFFFFF10];
	[tilespmem:s28+$0xFFFFFF80] =	vst v52;
	v52 =	vsub.s32 s9, v31;
	v47 =	vsel vm0, $0x0, v47  }
0x18c: {  	v59 =	vsub.s32 s0, v31;
	v60 =	vsub.s32 s7, v31;
	v58 =	vld [tilespmem:s31+$0xFFFFFF90];
	v53 =	vsel vm13, $0x0, v53;
	[tilespmem:s28+$0x190] =	vst v47  }
0x18d: {  	vm1 =	vgt.u32 v57, v32;
	vm0 =	vgt.u32 v55, v32;
	v47 =	vsub.s32 s1, v31;
	[tilespmem:s28+$0x0] =	vst v48;
	v48 =	vld [tilespmem:s31+$0x1A0]  }
0x18e: {  	vm12 =	vgt.u32 v59, v32;
	vm2 =	vgt.u32 v51, v32;
	vm11 =	vgt.u32 v52, v32;
	v51 =	vld [tilespmem:s31+$0x10];
	[tilespmem:s28+$0x80] =	vst v50  }
0x18f: {  	vm13 =	vgt.u32 v60, v32;
	v50 =	vsel vm0, $0x0, v54;
	vm0 =	vgt.u32 v47, v32;
	v52 =	vld [tilespmem:s31+$0x90];
	[tilespmem:s28+$0x100] =	vst v53  }
0x190: {  	v47 =	vsel vm1, $0x0, v56;
	v53 =	vsub.s32 s11, v33;
	[tilespmem:s28+$0xFFFFFE10] =	vst v50;
	v49 =	vsel vm2, $0x0, v49;
	v50 =	vld [tilespmem:s31+$0x110]  }
0x191: {  	v55 =	vsub.s32 s10, v33;
	vm1 =	vgt.u32 v53, v34;
	v54 =	vld [tilespmem:s31+$0xFFFFFE20];
	[tilespmem:s28+$0xFFFFFE90] =	vst v47;
	v47 =	vsel vm11, $0x0, v58  }
0x192: {  	v56 =	vsub.s32 s2, v33;
	v53 =	vld [tilespmem:s31+$0xFFFFFEA0];
	[tilespmem:s28+$0xFFFFFF10] =	vst v49;
	v49 =	vsub.s32 s8, v33;
	v48 =	vsel vm1, $0x0, v48  }
0x193: {  	v59 =	vsub.s32 s0, v33;
	v58 =	vsub.s32 s9, v33;
	v57 =	vld [tilespmem:s31+$0xFFFFFF20];
	v51 =	vsel vm12, $0x0, v51;
	[tilespmem:s28+$0x1A0] =	vst v48  }
0x194: {  	v48 =	vsub.s32 s7, v33;
	[tilespmem:s28+$0xFFFFFF90] =	vst v47;
	v47 =	vsel vm13, $0x0, v52;
	v52 =	vsub.s32 s1, v33;
	v60 =	vld [tilespmem:s31+$0x1B0]  }
0x195: {  	vm2 =	vgt.u32 v55, v34;
	vm11 =	vgt.u32 v56, v34;
	v55 =	vld [tilespmem:s31+$0xFFFFFFA0];
	[tilespmem:s28+$0x10] =	vst v51;
	v50 =	vsel vm0, $0x0, v50  }
0x196: {  	vm14 =	vgt.u32 v59, v34;
	vm12 =	vgt.u32 v49, v34;
	vm13 =	vgt.u32 v58, v34;
	v49 =	vld [tilespmem:s31+$0x20];
	[tilespmem:s28+$0x90] =	vst v47  }
0x197: {  	vm1 =	vgt.u32 v48, v34;
	v48 =	vsub.s32 s11, v35;
	vm0 =	vgt.u32 v52, v34;
	v47 =	vld [tilespmem:s31+$0xA0];
	[tilespmem:s28+$0x110] =	vst v50  }
0x198: {  	v50 =	vsel vm2, $0x0, v54;
	v51 =	vsel vm11, $0x0, v53;
	vm2 =	vgt.u32 v48, v36;
	v52 =	vld [tilespmem:s31+$0x120];
	[tilespmem:s25+$0x154] =	vst v46;
	s25 =	smov.u32 s29;
	s29 =	smov.u32 s28  }
0x199: {  	v48 =	vsub.s32 s10, v35;
	[tilespmem:s28+$0xFFFFFE20] =	vst v50;
	v50 =	vsel vm12, $0x0, v57;
	v53 =	vsel vm2, $0x0, v60;
	v46 =	vld [tilespmem:s26+$0x154];
	s26 =	smov.u32 s31  }
0x19a: {  	v56 =	vsub.s32 s2, v35;
	v57 =	vsub.s32 s8, v35;
	v54 =	vld [tilespmem:s31+$0xFFFFFE30];
	v55 =	vsel vm13, $0x0, v55;
	[tilespmem:s28+$0x1B0] =	vst v53  }
0x19b: {  	v53 =	vsub.s32 s0, v35;
	[tilespmem:s28+$0xFFFFFEA0] =	vst v51;
	v51 =	vsub.s32 s9, v35;
	v49 =	vsel vm14, $0x0, v49;
	v58 =	vld [tilespmem:s31+$0x1C0]  }
0x19c: {  	v60 =	vsub.s32 s1, v35;
	v59 =	vld [tilespmem:s31+$0xFFFFFEB0];
	[tilespmem:s28+$0xFFFFFF20] =	vst v50;
	v47 =	vsel vm1, $0x0, v47;
	v50 =	vsub.s32 s7, v35  }
0x19d: {  	vm2 =	vgt.u32 v56, v36;
	vm1 =	vgt.u32 v48, v36;
	v48 =	vld [tilespmem:s31+$0xFFFFFF30];
	[tilespmem:s28+$0xFFFFFFA0] =	vst v55;
	v52 =	vsel vm0, $0x0, v52  }
0x19e: {  	vm11 =	vgt.u32 v57, v36;
	vm12 =	vgt.u32 v51, v36;
	v55 =	vld [tilespmem:s31+$0xFFFFFFB0];
	[tilespmem:s28+$0x20] =	vst v49;
	v49 =	vsub.s32 s11, v37  }
0x19f: {  	vm13 =	vgt.u32 v53, v36;
	vm0 =	vgt.u32 v50, v36;
	v51 =	vld [tilespmem:s31+$0x30];
	[tilespmem:s28+$0xA0] =	vst v47;
	vm14 =	vgt.u32 v49, v38  }
0x1a0: {  	v47 =	vsel vm1, $0x0, v54;
	vm1 =	vgt.u32 v60, v36;
	v49 =	vld [tilespmem:s31+$0xB0];
	[tilespmem:s28+$0x120] =	vst v52;
	v50 =	vsel vm14, $0x0, v58  }
0x1a1: {  	v54 =	vsub.s32 s2, v37;
	v52 =	vsub.s32 s10, v37;
	v53 =	vsel vm2, $0x0, v59;
	v56 =	vld [tilespmem:s31+$0x130];
	[tilespmem:s28+$0x1C0] =	vst v50  }
0x1a2: {  	v50 =	vsub.s32 s9, v37;
	[tilespmem:s28+$0xFFFFFE30] =	vst v47;
	v47 =	vsel vm11, $0x0, v48;
	v48 =	vsub.s32 s8, v37;
	v57 =	vld [tilespmem:s31+$0x1D0]  }
0x1a3: {  	v59 =	vsub.s32 s7, v37;
	v58 =	vld [tilespmem:s31+$0xFFFFFE40];
	[tilespmem:s28+$0xFFFFFEB0] =	vst v53;
	v53 =	vsel vm12, $0x0, v55;
	v55 =	vsub.s32 s0, v37  }
0x1a4: {  	vm2 =	vgt.u32 v52, v38;
	v52 =	vld [tilespmem:s31+$0xFFFFFEC0];
	[tilespmem:s28+$0xFFFFFF30] =	vst v47;
	v47 =	vsel vm13, $0x0, v51;
	v51 =	vsub.s32 s1, v37  }
0x1a5: {  	vm11 =	vgt.u32 v54, v38;
	v54 =	vld [tilespmem:s31+$0xFFFFFF40];
	[tilespmem:s28+$0xFFFFFFB0] =	vst v53;
	v49 =	vsel vm0, $0x0, v49;
	v53 =	vsub.s32 s11, v39  }
0x1a6: {  	vm12 =	vgt.u32 v48, v38;
	v48 =	vld [tilespmem:s31+$0xFFFFFFC0];
	[tilespmem:s28+$0x30] =	vst v47;
	v47 =	vsel vm1, $0x0, v56;
	vm0 =	vgt.u32 v53, v40  }
0x1a7: {  	vm13 =	vgt.u32 v55, v38;
	vm1 =	vgt.u32 v50, v38;
	v50 =	vld [tilespmem:s31+$0x40];
	[tilespmem:s28+$0xB0] =	vst v49;
	v49 =	vsel vm0, $0x0, v57  }
0x1a8: {  	vm0 =	vgt.u32 v51, v38;
	v53 =	vsel vm2, $0x0, v58;
	v55 =	vld [tilespmem:s31+$0xC0];
	vm2 =	vgt.u32 v59, v38;
	[tilespmem:s28+$0x1D0] =	vst v49  }
0x1a9: {  	v49 =	vsub.s32 s10, v39;
	v51 =	vsel vm11, $0x0, v52;
	v52 =	vsub.s32 s2, v39;
	[tilespmem:s28+$0x130] =	vst v47;
	v47 =	vld [tilespmem:s31+$0x1D4]  }
0x1aa: {  	v56 =	vsub.s32 s9, v39;
	[tilespmem:s28+$0xFFFFFE40] =	vst v53;
	v53 =	vsel vm12, $0x0, v54;
	v54 =	vsub.s32 s8, v39;
	v57 =	vld [tilespmem:s31+$0x140]  }
0x1ab: {  	v59 =	vsub.s32 s7, v39;
	v58 =	vld [tilespmem:s31+$0xFFFFFE50];
	[tilespmem:s28+$0xFFFFFEC0] =	vst v51;
	v48 =	vsel vm1, $0x0, v48;
	v51 =	vsub.s32 s0, v39  }
0x1ac: {  	v61 =	vsub.s32 s11, v41;
	v60 =	vld [tilespmem:s31+$0xFFFFFED0];
	[tilespmem:s28+$0xFFFFFF40] =	vst v53;
	v50 =	vsel vm13, $0x0, v50;
	v53 =	vsub.s32 s1, v39  }
0x1ad: {  	vm1 =	vgt.u32 v49, v40;
	v49 =	vld [tilespmem:s31+$0xFFFFFF50];
	[tilespmem:s28+$0xFFFFFFC0] =	vst v48;
	v48 =	vsel vm2, $0x0, v55;
	vm2 =	vgt.u32 v61, v42  }
0x1ae: {  	vm11 =	vgt.u32 v52, v40;
	vm12 =	vgt.u32 v54, v40;
	v52 =	vld [tilespmem:s31+$0xFFFFFFD0];
	[tilespmem:s28+$0x40] =	vst v50;
	v47 =	vsel vm2, $0x0, v47  }
0x1af: {  	vm14 =	vgt.u32 v51, v40;
	vm2 =	vgt.u32 v56, v40;
	v50 =	vld [tilespmem:s31+$0x50];
	v51 =	vsel vm0, $0x0, v57;
	[tilespmem:s28+$0x1D4] =	vst v47  }
0x1b0: {  	vm15 =	vgt.u32 v53, v40;
	v47 =	vsel vm1, $0x0, v58;
	[tilespmem:s28+$0xC0] =	vst v48;
	vm1 =	vgt.u32 v59, v40  }
0x1b1: {  	v54 =	vsub.s32 s2, v41;
	v48 =	vsub.s32 s10, v41;
	v53 =	vsel vm11, $0x0, v60;
	v55 =	vld [tilespmem:s31+$0xD0];
	[tilespmem:s28+$0x140] =	vst v51  }
0x1b2: {  	v56 =	vsub.s32 s8, v41;
	v57 =	vsub.s32 s9, v41;
	[tilespmem:s28+$0xFFFFFE50] =	vst v47;
	v47 =	vsel vm12, $0x0, v49;
	v58 =	vld [tilespmem:s31+$0x150]  }
.Ltmp3:
0x1b3: {  	v59 =	vsub.s32 s7, v41;
	v51 =	vld [tilespmem:s31+$0xFFFFFE54];
	[tilespmem:s28+$0xFFFFFED0] =	vst v53;
	v52 =	vsel vm2, $0x0, v52;
	v53 =	vsub.s32 s0, v41;
	(pc) =	sbr.rel @p1 .LBB2_5-.Ltmp3, $4  }
0x1b4: {  	vm13 =	vgt.u32 v48, v42;
	v60 =	vsub.s32 s1, v41;
	v49 =	vld [tilespmem:s31+$0xFFFFFED4];
	[tilespmem:s28+$0xFFFFFF50] =	vst v47;
	v48 =	vsel vm14, $0x0, v50  }
0x1b5: {  	vm11 =	vgt.u32 v56, v42;
	vm12 =	vgt.u32 v54, v42;
	vm14 =	vgt.u32 v57, v42;
	v50 =	vld [tilespmem:s31+$0xFFFFFF54];
	[tilespmem:s28+$0xFFFFFFD0] =	vst v52  }
0x1b6: {  	vm0 =	vgt.u32 v53, v42;
	v47 =	vld [tilespmem:s31+$0xFFFFFFD4];
	[tilespmem:s28+$0x50] =	vst v48;
	v52 =	vsel vm1, $0x0, v55;
	vm1 =	vgt.u32 v59, v42  }
0x1b7: {  	s31 =	sadd.s32 $0x400, s31;
	v48 =	vld [tilespmem:s26+$0x54];
	[tilespmem:s28+$0xD0] =	vst v52;
	v53 =	vsel vm15, $0x0, v58;
	vm15 =	vgt.u32 v60, v42;
	v52 =	vsel vm10, $0x0, v45  }
0x1b8: {  	[tilespmem:s28+$0x150] =	vst v53  }
0x1b9: {  	v29 =	vsel vm13, $0x0, v51;
	[tilespmem:s25+$0xFFFFFFD4] =	vst v52  }
0x1ba: {  	[tilespmem:s28+$0xFFFFFE54] =	vst v29;
	v29 =	vsel vm12, $0x0, v49  }
0x1bb: {  	[tilespmem:s28+$0xFFFFFED4] =	vst v29;
	v29 =	vsel vm11, $0x0, v50  }
0x1bc: {  	v30 =	vld [tilespmem:s26+$0xD4];
	[tilespmem:s28+$0xFFFFFF54] =	vst v29;
	v29 =	vsel vm9, $0x0, v43  }
0x1bd: {  	v31 =	vsel vm8, $0x0, v44;
	[tilespmem:s25+$0x54] =	vst v29;
	v29 =	vld [tilespmem:s26+$0x154]  }
0x1be: {  	vm2 =	vmmov vm14;
	v32 =	vsel vm7, $0x0, v46;
	[tilespmem:s25+$0xD4] =	vst v31  }
0x1bf: {  	vm0 =	vmmov vm0;
	[tilespmem:s25+$0x154] =	vst v32;
	v31 =	vsel vm2, $0x0, v47  }
.Ltmp4:
0x1c0: {  	vm1 =	vmmov vm1;
	v63 =	vsel vm0, $0x0, v48;
	[tilespmem:s29+$0xFFFFFFD4] =	vst v31;
	(pc) =	sbr.rel @p2 .LBB2_8-.Ltmp4, $4  }
0x1c1: {  	vm0 =	vmmov vm15;
	v30 =	vsel vm1, $0x0, v30;
	[tilespmem:s29+$0x54] =	vst v63  }
0x1c2: {  	s0 =	sshll.u32 s24, $0x4;
	s1 =	sadd.s32 s6, s23;
	[tilespmem:s29+$0xD4] =	vst v30;
	v29 =	vsel vm0, $0x0, v29  }
0x1c3: {  	s0 =	sadd.s32 s0, s1;
	[tilespmem:s29+$0x154] =	vst v29  }
0x1c4: {  	[hbm4b:s0+s3] =	stream.linear.scatter [tilespmem:s16], [sflag:$0x4], $0x4000, $0x38;
	[tilespmem:$0x10200] =	vst v63  }
0x1c5: {  	s0 =	sadd.s32 $0x3, s22  }
.Ltmp5:
0x1c6: {  	s1 =	sshrl.u32 s0, $0x2;
	s0 =	sshll.u32 s0, $0xB;
	(pc) =	sbr.rel .LBB2_2-.Ltmp5, $4  }
0x1c7: {  	s1 =	sadd.s32 s4, s1;
	s0 =	sand.u32 $0x1800, s0  }
0x1c8: {  	s1 =	sshll.u32 s1, $0xD;
	s0 =	sadd.s32 s5, s0  }
0x1c9: {  	s20 =	sadd.s32 $0x1, s20;
	p0 =	por !p0, !p0;
	s0 =	sadd.s32 s1, s0  }
0x1ca: {  	[tilespmem:s12], [sflag:$0x2] =	stream.linear.gather [hbm4b:s0+s3], $0x4000, $0x38;
	[tilespmem:$0x10200] =	vst v63  }
.LBB2_9:
0x1cb: {  	_ =	sfence.sel $0x180000  }
0x1cc: {  	[bflag:$0x0] =	sbarrier.arrive $0xFFFF  }
0x1cd: {  	_ =	strace $0x90000047  }
0x1ce: {  	s0 =	stileid.u32;
	[bflag:$0x2] =	sbarrier.arrive $0xFFFF  }
0x1cf: {  	p0 =	sne.s32 s0, $0x0;
	s0 =	rddreg [dreg:$0x2]  }
0x1d0: {  	s0 =	sadd.s32 @!p0 $0x100000, s0  }
0x1d1: {  	[sflag:s0] =	ssyncadd.tile.s32 @!p0 $0x1;
	_ =	shalt  }
.Lfunc_end2:
_tile_overlayer_lowered:
.L_overlay_start_2:
0x1d2: {  	(tag) =	ssettag $0x2  }
0x1d3: {  	s0 =	rddreg [dreg:$0x0];
	s2 =	stileid.u32  }
0x1d4: {  	s1 =	rddreg [dreg:$0x1];
	p0 =	sne.s32 s2, $0x0  }
0x1d5: {  	s3 =	rddreg [dreg:$0x2];
	[bflag:$0x3] =	sbarrier.arrive $0xFFFF;
	s2 =	simm.s32 @!p0 $0x1C05  }
0x1d6: {  	[timem:s3], [sflag:s2] =	dma.local @!p0 [hbm:s0], s1  }
0x1d7: {  	s0 =	simm.s32 @!p0 $0x5  }
0x1d8: {  	_ =	swait.ge @!p0 [sflag:s0], s1  }
0x1d9: {  	s1 =	ssub.s32 @!p0 $0x0, s1;
	[sflag:s0] =	ssyncset.done @!p0 $0x0  }
0x1da: {  	[sflag:s0] =	ssyncadd.s32 @!p0 s1  }
0x1db: {  	[bflag:$0x3] =	sbarrier.arrive $0xFFFF  }
0x1dc: {  	_ =	shalt  }

</sc_bundles>
